<compile_context>
chip_gen: v7x
topology: tpu7x:2x2x1
jax: 0.10.2.dev20260603
libtpu: 0.0.44.dev20260713+nightly
codegen_flags: <defaults>
</compile_context>

<pallas_src>
import functools
import math

import jax
import jax.numpy as jnp
import numpy as np
from jax import lax
from jax.experimental import pallas as pl
from jax.experimental.pallas import tpu as pltpu
from jax.experimental.pallas import tpu_sc as plsc

VOCAB = 1000000
DIM = 64
PAD = 128
SEQ = 200
BATCH = 4096

NC = 2
NS = 16
NW = NC * NS
LANES = 16
VPER = DIM // LANES

B_PER_W = BATCH // NW
SUB_OFFS = (0, 104)
SUB_LENS = (104, 96)


def _pos_encoding():
    pos = np.arange(SEQ, dtype=np.float32)[:, None]
    fill = pos * np.exp(
        -np.arange(0, DIM, 2, dtype=np.float32) * math.log(10000.0) / DIM
    )
    enc = np.zeros((SEQ, DIM), dtype=np.float32)
    enc[:, 0::2] = np.sin(fill)
    enc[:, 1::2] = np.cos(fill)
    return enc


_mesh = plsc.VectorSubcoreMesh(core_axis_name="c", subcore_axis_name="s")
_params = pltpu.CompilerParams(use_tc_tiling_on_sc=True)


@functools.partial(
    pl.kernel,
    out_type=jax.ShapeDtypeStruct((BATCH, SEQ, DIM), jnp.float32),
    mesh=_mesh,
    scratch_types=[
        pltpu.VMEM((SEQ, DIM), jnp.float32),
        [pltpu.VMEM((SEQ,), jnp.int32) for _ in range(4)],
        [pltpu.VMEM((SEQ, PAD), jnp.float32) for _ in range(2)],
        [pltpu.VMEM((SEQ, DIM), jnp.float32) for _ in range(2)],
        pltpu.SemaphoreType.DMA((4,)),
        pltpu.SemaphoreType.DMA((2,)),
        pltpu.SemaphoreType.DMA((2,)),
    ],
    compiler_params=_params,
)
def _gather_kernel(
    x_hbm, table_hbm, pos_hbm, out_hbm, pos_v, ibufs, rows, outs, isem, gsem, ssem
):
    wid = lax.axis_index("s") * NC + lax.axis_index("c")
    bbase = wid * B_PER_W
    pltpu.sync_copy(pos_hbm, pos_v)

    def fire_idx(c, q):
        off = pl.multiple_of((bbase + c) * SEQ, 8)
        pltpu.async_copy(x_hbm.at[pl.ds(off, SEQ)], ibufs[q], isem.at[q])

    def wait_idx(q):
        pltpu.make_async_copy(
            x_hbm.at[pl.ds(0, SEQ)], ibufs[q], isem.at[q]
        ).wait()

    def fire_gather(c, q, b):
        for o, n in zip(SUB_OFFS, SUB_LENS):
            pltpu.async_copy(
                table_hbm.at[ibufs[q].at[pl.ds(o, n)]],
                rows[b].at[pl.ds(o, n)],
                gsem.at[b],
            )

    def wait_gather(b):
        pltpu.make_async_copy(
            table_hbm.at[pl.ds(0, SEQ)], rows[b], gsem.at[b]
        ).wait()

    def fire_store(c, b):
        pltpu.async_copy(outs[b], out_hbm.at[bbase + c], ssem.at[b])

    def wait_store(b):
        pltpu.make_async_copy(outs[b], out_hbm.at[0], ssem.at[b]).wait()

    fire_idx(0, 0)
    wait_idx(0)
    fire_gather(0, 0, 0)
    fire_idx(1, 1)

    NP = B_PER_W // 4

    def step(p, carry):
        for b in range(4):
            c = p * 4 + b
            mb = b % 2
            if b < 2:
                pl.when(p > 0)(lambda mb=mb: wait_store(mb))
            else:
                wait_store(mb)
            def _pref(c=c, q=(b + 2) % 4):
                fire_idx(c + 2, q)

            if b < 2:
                _pref()
            else:
                pl.when(p < NP - 1)(_pref)
            def _gnext(c=c, q=(b + 1) % 4, nb=(b + 1) % 2):
                wait_idx(q)
                fire_gather(c + 1, q, nb)

            if b < 3:
                _gnext()
            else:
                pl.when(p < NP - 1)(_gnext)
            wait_gather(mb)
            g, o = rows[mb], outs[mb]

            @plsc.parallel_loop(0, SEQ, unroll=4)
            def _(r):
                for j in range(VPER):
                    sl = pl.ds(j * LANES, LANES)
                    o[r, sl] = g[r, sl] + pos_v[r, sl]

            fire_store(c, b % 2)
        return carry

    lax.fori_loop(0, NP, step, 0)
    wait_store(0)
    wait_store(1)


def kernel(x, emb_table):
    pos = jnp.asarray(_pos_encoding())
    table_pad = jnp.pad(emb_table, ((0, 0), (0, PAD - DIM)))
    x_flat = x.reshape(BATCH * SEQ).astype(jnp.int32)
    return _gather_kernel(x_flat, table_pad, pos)

# --- scband reference (transcript-rebuilt; emitter-appended) ---
"""Pipeline reference for scband-embedding-with-position-6837587935358 (READ-ONLY COPY).

The authoritative reference and input builder live on the scoring server;
editing this copy changes nothing except your own understanding.
"""

import jax, jax.numpy as jnp
import numpy as np
import math

VOCAB_SIZE = 1000000
DIM = 64
SEQ_MAX_LEN = 200
BATCH = 4096
SEQ_LEN = 200


def _make_pos_encoding(seq_max_len, dim):
    position_idx = np.arange(0, seq_max_len, dtype=np.float32)[:, None]
    position_emb_fill = position_idx * np.exp(-np.arange(0, dim, 2, dtype=np.float32) * math.log(10000.0) / dim)
    pos_encoding = np.zeros((seq_max_len, dim), dtype=np.float32)
    pos_encoding[:, 0::2] = np.sin(position_emb_fill)
    pos_encoding[:, 1::2] = np.cos(position_emb_fill)
    return jnp.asarray(pos_encoding)


def setup_inputs(seed: int = 0) -> dict:
    key = jax.random.key(seed)
    k1, k2 = jax.random.split(key)
    x = jax.random.randint(k1, (BATCH, SEQ_LEN), 0, VOCAB_SIZE, dtype=jnp.int64 if jax.config.jax_enable_x64 else jnp.int32)
    emb_table = jax.random.normal(k2, (VOCAB_SIZE, DIM), dtype=jnp.float32)
    return {"x": x, "emb_table": emb_table}


def reference(x, emb_table):
    pos_encoding = _make_pos_encoding(SEQ_MAX_LEN, DIM)
    out = jnp.take(emb_table, x, axis=0)
    out = out + pos_encoding[None, :out.shape[1], :]
    return out

if __name__ == "__main__":
    import jax
    _d = setup_inputs()
    print(jax.jit(kernel)(*tuple(_d.values())))

</pallas_src>

<mosaic_0001>
#map = affine_map<(d0, d1) -> (0)>
#map1 = affine_map<(d0, d1) -> (0, 0)>
#map2 = affine_map<(d0, d1) -> (0, 0, 0)>
module attributes {stable_mosaic.version = 14 : i64} {
  func.func @_gather_kernel(%arg0: i32, %arg1: i32, %arg2: memref<819200xi32, #tpu.memory_space<hbm>>, %arg3: memref<1000000x128xf32, #tpu.memory_space<hbm>>, %arg4: memref<200x64xf32, #tpu.memory_space<hbm>>, %arg5: memref<4096x200x64xf32, #tpu.memory_space<hbm>>, %arg6: memref<200x64xf32, #tpu.memory_space<vmem>>, %arg7: memref<200xi32, #tpu.memory_space<vmem>>, %arg8: memref<200xi32, #tpu.memory_space<vmem>>, %arg9: memref<200xi32, #tpu.memory_space<vmem>>, %arg10: memref<200xi32, #tpu.memory_space<vmem>>, %arg11: memref<200x128xf32, #tpu.memory_space<vmem>>, %arg12: memref<200x128xf32, #tpu.memory_space<vmem>>, %arg13: memref<200x64xf32, #tpu.memory_space<vmem>>, %arg14: memref<200x64xf32, #tpu.memory_space<vmem>>, %arg15: memref<4x!tpu.dma_semaphore, #tpu.memory_space<semaphore_mem>>, %arg16: memref<2x!tpu.dma_semaphore, #tpu.memory_space<semaphore_mem>>, %arg17: memref<2x!tpu.dma_semaphore, #tpu.memory_space<semaphore_mem>>) attributes {dimension_semantics = [#tpu.dimension_semantics<core_parallel>, #tpu.dimension_semantics<subcore_parallel>], iteration_bounds = array<i64: 2, 16>, scalar_prefetch = 0 : i64, scratch_operands = 12 : i64, tpu.core_type = #tpu.core_type<sc_vector_subcore>, window_params = [{transform_indices = #map}, {transform_indices = #map1}, {transform_indices = #map1}, {transform_indices = #map2}]} {
    %mul3A = arith.constant 2 : i32
    %mul3A_0 = arith.muli %arg1, %mul3A : i32
    %add3A = arith.addi %mul3A_0, %arg0 : i32
    %mul3A_1 = arith.constant 128 : i32
    %mul3A_2 = arith.muli %add3A, %mul3A_1 : i32
    "tpu.region"() ({
      %run_scoped3A = tpu.sem_alloc : memref<!tpu.dma_semaphore, #tpu.memory_space<semaphore_mem>>
      tpu.enqueue_dma source(%arg4 : memref<200x64xf32, #tpu.memory_space<hbm>>) target(%arg6 : memref<200x64xf32, #tpu.memory_space<vmem>>) target_semaphore(%run_scoped3A : memref<!tpu.dma_semaphore, #tpu.memory_space<semaphore_mem>>)
      tpu.wait_dma2 semaphore(%run_scoped3A : memref<!tpu.dma_semaphore, #tpu.memory_space<semaphore_mem>>) src(%arg4 : memref<200x64xf32, #tpu.memory_space<hbm>>) dst(%arg6 : memref<200x64xf32, #tpu.memory_space<vmem>>)
      tpu.yield
    }) : () -> ()
    %add3A_3 = arith.constant 0 : i32
    %add3A_4 = arith.addi %mul3A_2, %add3A_3 : i32
    %mul3A_5 = arith.constant 200 : i32
    %mul3A_6 = arith.muli %add3A_4, %mul3A_5 : i32
    %multiple_of3A = tpu.assume_multiple %mul3A_6, 8 : i32
    %dma_start3A = arith.constant 0 : i32
    %dma_start3A_7 = tpu.memref_slice %arg2[%multiple_of3A] : memref<819200xi32, #tpu.memory_space<hbm>> -> memref<200xi32, #tpu.memory_space<hbm>>
    %dma_start3A_8 = tpu.memref_slice %arg15[%dma_start3A] : memref<4x!tpu.dma_semaphore, #tpu.memory_space<semaphore_mem>> -> memref<1x!tpu.dma_semaphore, #tpu.memory_space<semaphore_mem>>
    %dma_start3A_9 = tpu.memref_squeeze %dma_start3A_8 : memref<1x!tpu.dma_semaphore, #tpu.memory_space<semaphore_mem>> -> memref<!tpu.dma_semaphore, #tpu.memory_space<semaphore_mem>>
    %dma_start3A_10 = tpu.memref_slice %arg2[%multiple_of3A] : memref<819200xi32, #tpu.memory_space<hbm>> -> memref<200xi32, #tpu.memory_space<hbm>>
    tpu.enqueue_dma source(%dma_start3A_10 : memref<200xi32, #tpu.memory_space<hbm>>) target(%arg7 : memref<200xi32, #tpu.memory_space<vmem>>) target_semaphore(%dma_start3A_9 : memref<!tpu.dma_semaphore, #tpu.memory_space<semaphore_mem>>)
    %dma_wait3A = arith.constant 0 : i32
    %dma_wait3A_11 = arith.constant 0 : i32
    %dma_wait3A_12 = tpu.memref_slice %arg2[%dma_wait3A_11] : memref<819200xi32, #tpu.memory_space<hbm>> -> memref<200xi32, #tpu.memory_space<hbm>>
    %dma_wait3A_13 = tpu.memref_slice %arg15[%dma_wait3A] : memref<4x!tpu.dma_semaphore, #tpu.memory_space<semaphore_mem>> -> memref<1x!tpu.dma_semaphore, #tpu.memory_space<semaphore_mem>>
    %dma_wait3A_14 = tpu.memref_squeeze %dma_wait3A_13 : memref<1x!tpu.dma_semaphore, #tpu.memory_space<semaphore_mem>> -> memref<!tpu.dma_semaphore, #tpu.memory_space<semaphore_mem>>
    %dma_wait3A_15 = arith.constant 0 : i32
    %dma_wait3A_16 = tpu.memref_slice %arg2[%dma_wait3A_15] : memref<819200xi32, #tpu.memory_space<hbm>> -> memref<200xi32, #tpu.memory_space<hbm>>
    tpu.wait_dma2 semaphore(%dma_wait3A_14 : memref<!tpu.dma_semaphore, #tpu.memory_space<semaphore_mem>>) src(%dma_wait3A_16 : memref<200xi32, #tpu.memory_space<hbm>>) dst(%arg7 : memref<200xi32, #tpu.memory_space<vmem>>)
    %dma_start3A_17 = arith.constant 0 : i32
    %dma_start3A_18 = arith.constant 0 : i32
    %dma_start3A_19 = arith.constant 0 : i32
    %dma_start3A_20 = tpu.memref_slice %arg11[%dma_start3A_18, %dma_start3A_19] : memref<200x128xf32, #tpu.memory_space<vmem>> -> memref<104x128xf32, #tpu.memory_space<vmem>>
    %dma_start3A_21 = arith.constant 0 : i32
    %dma_start3A_22 = tpu.memref_slice %arg7[%dma_start3A_21] : memref<200xi32, #tpu.memory_space<vmem>> -> memref<104xi32, #tpu.memory_space<vmem>>
    %dma_start3A_23 = arith.constant 0 : i32
    %dma_start3A_24 = arith.constant 0 : i32
    %dma_start3A_25 = tpu.memref_slice %arg3[%dma_start3A_23, %dma_start3A_24] : memref<1000000x128xf32, #tpu.memory_space<hbm>> -> memref<1000000x128xf32, #tpu.memory_space<hbm>>
    %dma_start3A_26 = tpu.memref_slice %arg16[%dma_start3A_17] : memref<2x!tpu.dma_semaphore, #tpu.memory_space<semaphore_mem>> -> memref<1x!tpu.dma_semaphore, #tpu.memory_space<semaphore_mem>>
    %dma_start3A_27 = tpu.memref_squeeze %dma_start3A_26 : memref<1x!tpu.dma_semaphore, #tpu.memory_space<semaphore_mem>> -> memref<!tpu.dma_semaphore, #tpu.memory_space<semaphore_mem>>
    tpu.enqueue_indirect_dma source(%dma_start3A_25 : memref<1000000x128xf32, #tpu.memory_space<hbm>>) target(%dma_start3A_20 : memref<104x128xf32, #tpu.memory_space<vmem>>) offsets(%dma_start3A_22 : memref<104xi32, #tpu.memory_space<vmem>>) semaphore(%dma_start3A_27 : memref<!tpu.dma_semaphore, #tpu.memory_space<semaphore_mem>>)
    %dma_start3A_28 = arith.constant 0 : i32
    %dma_start3A_29 = arith.constant 104 : i32
    %dma_start3A_30 = arith.constant 0 : i32
    %dma_start3A_31 = tpu.memref_slice %arg11[%dma_start3A_29, %dma_start3A_30] : memref<200x128xf32, #tpu.memory_space<vmem>> -> memref<96x128xf32, #tpu.memory_space<vmem>>
    %dma_start3A_32 = arith.constant 104 : i32
    %dma_start3A_33 = tpu.memref_slice %arg7[%dma_start3A_32] : memref<200xi32, #tpu.memory_space<vmem>> -> memref<96xi32, #tpu.memory_space<vmem>>
    %dma_start3A_34 = arith.constant 0 : i32
    %dma_start3A_35 = arith.constant 0 : i32
    %dma_start3A_36 = tpu.memref_slice %arg3[%dma_start3A_34, %dma_start3A_35] : memref<1000000x128xf32, #tpu.memory_space<hbm>> -> memref<1000000x128xf32, #tpu.memory_space<hbm>>
    %dma_start3A_37 = tpu.memref_slice %arg16[%dma_start3A_28] : memref<2x!tpu.dma_semaphore, #tpu.memory_space<semaphore_mem>> -> memref<1x!tpu.dma_semaphore, #tpu.memory_space<semaphore_mem>>
    %dma_start3A_38 = tpu.memref_squeeze %dma_start3A_37 : memref<1x!tpu.dma_semaphore, #tpu.memory_space<semaphore_mem>> -> memref<!tpu.dma_semaphore, #tpu.memory_space<semaphore_mem>>
    tpu.enqueue_indirect_dma source(%dma_start3A_36 : memref<1000000x128xf32, #tpu.memory_space<hbm>>) target(%dma_start3A_31 : memref<96x128xf32, #tpu.memory_space<vmem>>) offsets(%dma_start3A_33 : memref<96xi32, #tpu.memory_space<vmem>>) semaphore(%dma_start3A_38 : memref<!tpu.dma_semaphore, #tpu.memory_space<semaphore_mem>>)
    %add3A_39 = arith.constant 1 : i32
    %add3A_40 = arith.addi %mul3A_2, %add3A_39 : i32
    %mul3A_41 = arith.constant 200 : i32
    %mul3A_42 = arith.muli %add3A_40, %mul3A_41 : i32
    %multiple_of3A_43 = tpu.assume_multiple %mul3A_42, 8 : i32
    %dma_start3A_44 = arith.constant 1 : i32
    %dma_start3A_45 = tpu.memref_slice %arg2[%multiple_of3A_43] : memref<819200xi32, #tpu.memory_space<hbm>> -> memref<200xi32, #tpu.memory_space<hbm>>
    %dma_start3A_46 = tpu.memref_slice %arg15[%dma_start3A_44] : memref<4x!tpu.dma_semaphore, #tpu.memory_space<semaphore_mem>> -> memref<1x!tpu.dma_semaphore, #tpu.memory_space<semaphore_mem>>
    %dma_start3A_47 = tpu.memref_squeeze %dma_start3A_46 : memref<1x!tpu.dma_semaphore, #tpu.memory_space<semaphore_mem>> -> memref<!tpu.dma_semaphore, #tpu.memory_space<semaphore_mem>>
    %dma_start3A_48 = tpu.memref_slice %arg2[%multiple_of3A_43] : memref<819200xi32, #tpu.memory_space<hbm>> -> memref<200xi32, #tpu.memory_space<hbm>>
    tpu.enqueue_dma source(%dma_start3A_48 : memref<200xi32, #tpu.memory_space<hbm>>) target(%arg8 : memref<200xi32, #tpu.memory_space<vmem>>) target_semaphore(%dma_start3A_47 : memref<!tpu.dma_semaphore, #tpu.memory_space<semaphore_mem>>)
    %scan3A = arith.constant 0 : i32
    %scan3A_49 = arith.constant 0 : i32
    %scan3A_50 = arith.constant 32 : i32
    %scan3A_51 = arith.addi %scan3A_49, %scan3A_50 : i32
    %scan3A_52 = arith.constant 1 : i32
    scf.for %scan3A_78 = %scan3A_49 to %scan3A_51 step %scan3A_52  : i32 {
      %mul3A_79 = arith.constant 4 : i32
      %mul3A_80 = arith.muli %scan3A_78, %mul3A_79 : i32
      %add3A_81 = arith.constant 0 : i32
      %add3A_82 = arith.addi %mul3A_80, %add3A_81 : i32
      %gt3A = arith.constant 0 : i32
      %gt3A_83 = arith.cmpi sgt, %scan3A_78, %gt3A : i32
      %convert_element_type3A = arith.extui %gt3A_83 : i1 to i32
      %cond3A = arith.constant 0 : i32
      %cond3A_84 = arith.cmpi ne, %convert_element_type3A, %cond3A : i32
      scf.if %cond3A_84 {
        %dma_wait3A_350 = arith.constant 0 : i32
        %dma_wait3A_351 = arith.constant 0 : i32
        %dma_wait3A_352 = arith.constant 0 : i32
        %dma_wait3A_353 = arith.constant 0 : i32
        %dma_wait3A_354 = tpu.memref_slice %arg5[%dma_wait3A_350, %dma_wait3A_352, %dma_wait3A_353] : memref<4096x200x64xf32, #tpu.memory_space<hbm>> -> memref<1x200x64xf32, #tpu.memory_space<hbm>>
        %dma_wait3A_355 = tpu.memref_squeeze %dma_wait3A_354 : memref<1x200x64xf32, #tpu.memory_space<hbm>> -> memref<200x64xf32, #tpu.memory_space<hbm>>
        %dma_wait3A_356 = tpu.memref_slice %arg17[%dma_wait3A_351] : memref<2x!tpu.dma_semaphore, #tpu.memory_space<semaphore_mem>> -> memref<1x!tpu.dma_semaphore, #tpu.memory_space<semaphore_mem>>
        %dma_wait3A_357 = tpu.memref_squeeze %dma_wait3A_356 : memref<1x!tpu.dma_semaphore, #tpu.memory_space<semaphore_mem>> -> memref<!tpu.dma_semaphore, #tpu.memory_space<semaphore_mem>>
        %dma_wait3A_358 = arith.constant 0 : i32
        %dma_wait3A_359 = arith.constant 0 : i32
        %dma_wait3A_360 = tpu.memref_slice %arg5[%dma_wait3A_350, %dma_wait3A_358, %dma_wait3A_359] : memref<4096x200x64xf32, #tpu.memory_space<hbm>> -> memref<1x200x64xf32, #tpu.memory_space<hbm>>
        %dma_wait3A_361 = tpu.memref_squeeze %dma_wait3A_360 : memref<1x200x64xf32, #tpu.memory_space<hbm>> -> memref<200x64xf32, #tpu.memory_space<hbm>>
        tpu.wait_dma2 semaphore(%dma_wait3A_357 : memref<!tpu.dma_semaphore, #tpu.memory_space<semaphore_mem>>) src(%arg13 : memref<200x64xf32, #tpu.memory_space<vmem>>) dst(%dma_wait3A_361 : memref<200x64xf32, #tpu.memory_space<hbm>>)
      } else {
      }
      %add3A_85 = arith.constant 2 : i32
      %add3A_86 = arith.addi %add3A_82, %add3A_85 : i32
      %add3A_87 = arith.addi %mul3A_2, %add3A_86 : i32
      %mul3A_88 = arith.constant 200 : i32
      %mul3A_89 = arith.muli %add3A_87, %mul3A_88 : i32
      %multiple_of3A_90 = tpu.assume_multiple %mul3A_89, 8 : i32
      %dma_start3A_91 = arith.constant 2 : i32
      %dma_start3A_92 = tpu.memref_slice %arg2[%multiple_of3A_90] : memref<819200xi32, #tpu.memory_space<hbm>> -> memref<200xi32, #tpu.memory_space<hbm>>
      %dma_start3A_93 = tpu.memref_slice %arg15[%dma_start3A_91] : memref<4x!tpu.dma_semaphore, #tpu.memory_space<semaphore_mem>> -> memref<1x!tpu.dma_semaphore, #tpu.memory_space<semaphore_mem>>
      %dma_start3A_94 = tpu.memref_squeeze %dma_start3A_93 : memref<1x!tpu.dma_semaphore, #tpu.memory_space<semaphore_mem>> -> memref<!tpu.dma_semaphore, #tpu.memory_space<semaphore_mem>>
      %dma_start3A_95 = tpu.memref_slice %arg2[%multiple_of3A_90] : memref<819200xi32, #tpu.memory_space<hbm>> -> memref<200xi32, #tpu.memory_space<hbm>>
      tpu.enqueue_dma source(%dma_start3A_95 : memref<200xi32, #tpu.memory_space<hbm>>) target(%arg9 : memref<200xi32, #tpu.memory_space<vmem>>) target_semaphore(%dma_start3A_94 : memref<!tpu.dma_semaphore, #tpu.memory_space<semaphore_mem>>)
      %dma_wait3A_96 = arith.constant 1 : i32
      %dma_wait3A_97 = arith.constant 0 : i32
      %dma_wait3A_98 = tpu.memref_slice %arg2[%dma_wait3A_97] : memref<819200xi32, #tpu.memory_space<hbm>> -> memref<200xi32, #tpu.memory_space<hbm>>
      %dma_wait3A_99 = tpu.memref_slice %arg15[%dma_wait3A_96] : memref<4x!tpu.dma_semaphore, #tpu.memory_space<semaphore_mem>> -> memref<1x!tpu.dma_semaphore, #tpu.memory_space<semaphore_mem>>
      %dma_wait3A_100 = tpu.memref_squeeze %dma_wait3A_99 : memref<1x!tpu.dma_semaphore, #tpu.memory_space<semaphore_mem>> -> memref<!tpu.dma_semaphore, #tpu.memory_space<semaphore_mem>>
      %dma_wait3A_101 = arith.constant 0 : i32
      %dma_wait3A_102 = tpu.memref_slice %arg2[%dma_wait3A_101] : memref<819200xi32, #tpu.memory_space<hbm>> -> memref<200xi32, #tpu.memory_space<hbm>>
      tpu.wait_dma2 semaphore(%dma_wait3A_100 : memref<!tpu.dma_semaphore, #tpu.memory_space<semaphore_mem>>) src(%dma_wait3A_102 : memref<200xi32, #tpu.memory_space<hbm>>) dst(%arg8 : memref<200xi32, #tpu.memory_space<vmem>>)
      %add3A_103 = arith.constant 1 : i32
      %add3A_104 = arith.addi %add3A_82, %add3A_103 : i32
      %dma_start3A_105 = arith.constant 1 : i32
      %dma_start3A_106 = arith.constant 0 : i32
      %dma_start3A_107 = arith.constant 0 : i32
      %dma_start3A_108 = tpu.memref_slice %arg12[%dma_start3A_106, %dma_start3A_107] : memref<200x128xf32, #tpu.memory_space<vmem>> -> memref<104x128xf32, #tpu.memory_space<vmem>>
      %dma_start3A_109 = arith.constant 0 : i32
      %dma_start3A_110 = tpu.memref_slice %arg8[%dma_start3A_109] : memref<200xi32, #tpu.memory_space<vmem>> -> memref<104xi32, #tpu.memory_space<vmem>>
      %dma_start3A_111 = arith.constant 0 : i32
      %dma_start3A_112 = arith.constant 0 : i32
      %dma_start3A_113 = tpu.memref_slice %arg3[%dma_start3A_111, %dma_start3A_112] : memref<1000000x128xf32, #tpu.memory_space<hbm>> -> memref<1000000x128xf32, #tpu.memory_space<hbm>>
      %dma_start3A_114 = tpu.memref_slice %arg16[%dma_start3A_105] : memref<2x!tpu.dma_semaphore, #tpu.memory_space<semaphore_mem>> -> memref<1x!tpu.dma_semaphore, #tpu.memory_space<semaphore_mem>>
      %dma_start3A_115 = tpu.memref_squeeze %dma_start3A_114 : memref<1x!tpu.dma_semaphore, #tpu.memory_space<semaphore_mem>> -> memref<!tpu.dma_semaphore, #tpu.memory_space<semaphore_mem>>
      tpu.enqueue_indirect_dma source(%dma_start3A_113 : memref<1000000x128xf32, #tpu.memory_space<hbm>>) target(%dma_start3A_108 : memref<104x128xf32, #tpu.memory_space<vmem>>) offsets(%dma_start3A_110 : memref<104xi32, #tpu.memory_space<vmem>>) semaphore(%dma_start3A_115 : memref<!tpu.dma_semaphore, #tpu.memory_space<semaphore_mem>>)
      %dma_start3A_116 = arith.constant 1 : i32
      %dma_start3A_117 = arith.constant 104 : i32
      %dma_start3A_118 = arith.constant 0 : i32
      %dma_start3A_119 = tpu.memref_slice %arg12[%dma_start3A_117, %dma_start3A_118] : memref<200x128xf32, #tpu.memory_space<vmem>> -> memref<96x128xf32, #tpu.memory_space<vmem>>
      %dma_start3A_120 = arith.constant 104 : i32
      %dma_start3A_121 = tpu.memref_slice %arg8[%dma_start3A_120] : memref<200xi32, #tpu.memory_space<vmem>> -> memref<96xi32, #tpu.memory_space<vmem>>
      %dma_start3A_122 = arith.constant 0 : i32
      %dma_start3A_123 = arith.constant 0 : i32
      %dma_start3A_124 = tpu.memref_slice %arg3[%dma_start3A_122, %dma_start3A_123] : memref<1000000x128xf32, #tpu.memory_space<hbm>> -> memref<1000000x128xf32, #tpu.memory_space<hbm>>
      %dma_start3A_125 = tpu.memref_slice %arg16[%dma_start3A_116] : memref<2x!tpu.dma_semaphore, #tpu.memory_space<semaphore_mem>> -> memref<1x!tpu.dma_semaphore, #tpu.memory_space<semaphore_mem>>
      %dma_start3A_126 = tpu.memref_squeeze %dma_start3A_125 : memref<1x!tpu.dma_semaphore, #tpu.memory_space<semaphore_mem>> -> memref<!tpu.dma_semaphore, #tpu.memory_space<semaphore_mem>>
      tpu.enqueue_indirect_dma source(%dma_start3A_124 : memref<1000000x128xf32, #tpu.memory_space<hbm>>) target(%dma_start3A_119 : memref<96x128xf32, #tpu.memory_space<vmem>>) offsets(%dma_start3A_121 : memref<96xi32, #tpu.memory_space<vmem>>) semaphore(%dma_start3A_126 : memref<!tpu.dma_semaphore, #tpu.memory_space<semaphore_mem>>)
      %dma_wait3A_127 = arith.constant 0 : i32
      %dma_wait3A_128 = arith.constant 0 : i32
      %dma_wait3A_129 = arith.constant 0 : i32
      %dma_wait3A_130 = tpu.memref_slice %arg3[%dma_wait3A_128, %dma_wait3A_129] : memref<1000000x128xf32, #tpu.memory_space<hbm>> -> memref<200x128xf32, #tpu.memory_space<hbm>>
      %dma_wait3A_131 = tpu.memref_slice %arg16[%dma_wait3A_127] : memref<2x!tpu.dma_semaphore, #tpu.memory_space<semaphore_mem>> -> memref<1x!tpu.dma_semaphore, #tpu.memory_space<semaphore_mem>>
      %dma_wait3A_132 = tpu.memref_squeeze %dma_wait3A_131 : memref<1x!tpu.dma_semaphore, #tpu.memory_space<semaphore_mem>> -> memref<!tpu.dma_semaphore, #tpu.memory_space<semaphore_mem>>
      %dma_wait3A_133 = arith.constant 0 : i32
      %dma_wait3A_134 = arith.constant 0 : i32
      %dma_wait3A_135 = tpu.memref_slice %arg3[%dma_wait3A_133, %dma_wait3A_134] : memref<1000000x128xf32, #tpu.memory_space<hbm>> -> memref<200x128xf32, #tpu.memory_space<hbm>>
      tpu.wait_dma2 semaphore(%dma_wait3A_132 : memref<!tpu.dma_semaphore, #tpu.memory_space<semaphore_mem>>) src(%dma_wait3A_135 : memref<200x128xf32, #tpu.memory_space<hbm>>) dst(%arg11 : memref<200x128xf32, #tpu.memory_space<vmem>>)
      %parallel_loop3A = arith.constant 0 : i32
      %parallel_loop3A_136 = arith.constant 200 : i32
      %parallel_loop3A_137 = arith.constant 1 : i32
      scf.for %parallel_loop3A_350 = %parallel_loop3A to %parallel_loop3A_136 step %parallel_loop3A_137  : i32 {
        %parallel_loop3A_351 = arith.index_cast %parallel_loop3A_350 : i32 to index
        %parallel_loop3A_352 = arith.constant 0 : index
        %parallel_loop3A_353 = tpu.vector_load %arg11[%parallel_loop3A_351, %parallel_loop3A_352] {strides = array<i32>} : memref<200x128xf32, #tpu.memory_space<vmem>>, vector<1x16xf32>,
        %parallel_loop3A_354 = vector.shape_cast %parallel_loop3A_353 : vector<1x16xf32> to vector<16xf32>
        %parallel_loop3A_355 = arith.index_cast %parallel_loop3A_350 : i32 to index
        %parallel_loop3A_356 = arith.constant 0 : index
        %parallel_loop3A_357 = tpu.vector_load %arg6[%parallel_loop3A_355, %parallel_loop3A_356] {strides = array<i32>} : memref<200x64xf32, #tpu.memory_space<vmem>>, vector<1x16xf32>,
        %parallel_loop3A_358 = vector.shape_cast %parallel_loop3A_357 : vector<1x16xf32> to vector<16xf32>
        %parallel_loop3A_359 = arith.addf %parallel_loop3A_354, %parallel_loop3A_358 : vector<16xf32>
        %parallel_loop3A_360 = arith.index_cast %parallel_loop3A_350 : i32 to index
        %parallel_loop3A_361 = arith.constant 0 : index
        %parallel_loop3A_362 = tpu.vector_load %arg13[%parallel_loop3A_360, %parallel_loop3A_361] {strides = array<i32>} : memref<200x64xf32, #tpu.memory_space<vmem>>, vector<1x16xf32>,
        %parallel_loop3A_363 = vector.shape_cast %parallel_loop3A_362 : vector<1x16xf32> to vector<16xf32>
        %parallel_loop3A_364 = vector.shape_cast %parallel_loop3A_359 : vector<16xf32> to vector<1x16xf32>
        tpu.vector_store %arg13[%parallel_loop3A_360, %parallel_loop3A_361], %parallel_loop3A_364 {strides = array<i32>} : memref<200x64xf32, #tpu.memory_space<vmem>>, vector<1x16xf32>,
        %parallel_loop3A_365 = arith.index_cast %parallel_loop3A_350 : i32 to index
        %parallel_loop3A_366 = arith.constant 16 : index
        %parallel_loop3A_367 = tpu.vector_load %arg11[%parallel_loop3A_365, %parallel_loop3A_366] {strides = array<i32>} : memref<200x128xf32, #tpu.memory_space<vmem>>, vector<1x16xf32>,
        %parallel_loop3A_368 = vector.shape_cast %parallel_loop3A_367 : vector<1x16xf32> to vector<16xf32>
        %parallel_loop3A_369 = arith.index_cast %parallel_loop3A_350 : i32 to index
        %parallel_loop3A_370 = arith.constant 16 : index
        %parallel_loop3A_371 = tpu.vector_load %arg6[%parallel_loop3A_369, %parallel_loop3A_370] {strides = array<i32>} : memref<200x64xf32, #tpu.memory_space<vmem>>, vector<1x16xf32>,
        %parallel_loop3A_372 = vector.shape_cast %parallel_loop3A_371 : vector<1x16xf32> to vector<16xf32>
        %parallel_loop3A_373 = arith.addf %parallel_loop3A_368, %parallel_loop3A_372 : vector<16xf32>
        %parallel_loop3A_374 = arith.index_cast %parallel_loop3A_350 : i32 to index
        %parallel_loop3A_375 = arith.constant 16 : index
        %parallel_loop3A_376 = tpu.vector_load %arg13[%parallel_loop3A_374, %parallel_loop3A_375] {strides = array<i32>} : memref<200x64xf32, #tpu.memory_space<vmem>>, vector<1x16xf32>,
        %parallel_loop3A_377 = vector.shape_cast %parallel_loop3A_376 : vector<1x16xf32> to vector<16xf32>
        %parallel_loop3A_378 = vector.shape_cast %parallel_loop3A_373 : vector<16xf32> to vector<1x16xf32>
        tpu.vector_store %arg13[%parallel_loop3A_374, %parallel_loop3A_375], %parallel_loop3A_378 {strides = array<i32>} : memref<200x64xf32, #tpu.memory_space<vmem>>, vector<1x16xf32>,
        %parallel_loop3A_379 = arith.index_cast %parallel_loop3A_350 : i32 to index
        %parallel_loop3A_380 = arith.constant 32 : index
        %parallel_loop3A_381 = tpu.vector_load %arg11[%parallel_loop3A_379, %parallel_loop3A_380] {strides = array<i32>} : memref<200x128xf32, #tpu.memory_space<vmem>>, vector<1x16xf32>,
        %parallel_loop3A_382 = vector.shape_cast %parallel_loop3A_381 : vector<1x16xf32> to vector<16xf32>
        %parallel_loop3A_383 = arith.index_cast %parallel_loop3A_350 : i32 to index
        %parallel_loop3A_384 = arith.constant 32 : index
        %parallel_loop3A_385 = tpu.vector_load %arg6[%parallel_loop3A_383, %parallel_loop3A_384] {strides = array<i32>} : memref<200x64xf32, #tpu.memory_space<vmem>>, vector<1x16xf32>,
        %parallel_loop3A_386 = vector.shape_cast %parallel_loop3A_385 : vector<1x16xf32> to vector<16xf32>
        %parallel_loop3A_387 = arith.addf %parallel_loop3A_382, %parallel_loop3A_386 : vector<16xf32>
        %parallel_loop3A_388 = arith.index_cast %parallel_loop3A_350 : i32 to index
        %parallel_loop3A_389 = arith.constant 32 : index
        %parallel_loop3A_390 = tpu.vector_load %arg13[%parallel_loop3A_388, %parallel_loop3A_389] {strides = array<i32>} : memref<200x64xf32, #tpu.memory_space<vmem>>, vector<1x16xf32>,
        %parallel_loop3A_391 = vector.shape_cast %parallel_loop3A_390 : vector<1x16xf32> to vector<16xf32>
        %parallel_loop3A_392 = vector.shape_cast %parallel_loop3A_387 : vector<16xf32> to vector<1x16xf32>
        tpu.vector_store %arg13[%parallel_loop3A_388, %parallel_loop3A_389], %parallel_loop3A_392 {strides = array<i32>} : memref<200x64xf32, #tpu.memory_space<vmem>>, vector<1x16xf32>,
        %parallel_loop3A_393 = arith.index_cast %parallel_loop3A_350 : i32 to index
        %parallel_loop3A_394 = arith.constant 48 : index
        %parallel_loop3A_395 = tpu.vector_load %arg11[%parallel_loop3A_393, %parallel_loop3A_394] {strides = array<i32>} : memref<200x128xf32, #tpu.memory_space<vmem>>, vector<1x16xf32>,
        %parallel_loop3A_396 = vector.shape_cast %parallel_loop3A_395 : vector<1x16xf32> to vector<16xf32>
        %parallel_loop3A_397 = arith.index_cast %parallel_loop3A_350 : i32 to index
        %parallel_loop3A_398 = arith.constant 48 : index
        %parallel_loop3A_399 = tpu.vector_load %arg6[%parallel_loop3A_397, %parallel_loop3A_398] {strides = array<i32>} : memref<200x64xf32, #tpu.memory_space<vmem>>, vector<1x16xf32>,
        %parallel_loop3A_400 = vector.shape_cast %parallel_loop3A_399 : vector<1x16xf32> to vector<16xf32>
        %parallel_loop3A_401 = arith.addf %parallel_loop3A_396, %parallel_loop3A_400 : vector<16xf32>
        %parallel_loop3A_402 = arith.index_cast %parallel_loop3A_350 : i32 to index
        %parallel_loop3A_403 = arith.constant 48 : index
        %parallel_loop3A_404 = tpu.vector_load %arg13[%parallel_loop3A_402, %parallel_loop3A_403] {strides = array<i32>} : memref<200x64xf32, #tpu.memory_space<vmem>>, vector<1x16xf32>,
        %parallel_loop3A_405 = vector.shape_cast %parallel_loop3A_404 : vector<1x16xf32> to vector<16xf32>
        %parallel_loop3A_406 = vector.shape_cast %parallel_loop3A_401 : vector<16xf32> to vector<1x16xf32>
        tpu.vector_store %arg13[%parallel_loop3A_402, %parallel_loop3A_403], %parallel_loop3A_406 {strides = array<i32>} : memref<200x64xf32, #tpu.memory_space<vmem>>, vector<1x16xf32>,
      } {sc.loop_unroll_factor = 4 : i64, sc.parallel_access}
      %add3A_138 = arith.addi %mul3A_2, %add3A_82 : i32
      %dma_start3A_139 = arith.constant 0 : i32
      %dma_start3A_140 = arith.constant 0 : i32
      %dma_start3A_141 = arith.constant 0 : i32
      %dma_start3A_142 = tpu.memref_slice %arg5[%add3A_138, %dma_start3A_140, %dma_start3A_141] : memref<4096x200x64xf32, #tpu.memory_space<hbm>> -> memref<1x200x64xf32, #tpu.memory_space<hbm>>
      %dma_start3A_143 = tpu.memref_squeeze %dma_start3A_142 : memref<1x200x64xf32, #tpu.memory_space<hbm>> -> memref<200x64xf32, #tpu.memory_space<hbm>>
      %dma_start3A_144 = tpu.memref_slice %arg17[%dma_start3A_139] : memref<2x!tpu.dma_semaphore, #tpu.memory_space<semaphore_mem>> -> memref<1x!tpu.dma_semaphore, #tpu.memory_space<semaphore_mem>>
      %dma_start3A_145 = tpu.memref_squeeze %dma_start3A_144 : memref<1x!tpu.dma_semaphore, #tpu.memory_space<semaphore_mem>> -> memref<!tpu.dma_semaphore, #tpu.memory_space<semaphore_mem>>
      %dma_start3A_146 = arith.constant 0 : i32
      %dma_start3A_147 = arith.constant 0 : i32
      %dma_start3A_148 = tpu.memref_slice %arg5[%add3A_138, %dma_start3A_146, %dma_start3A_147] : memref<4096x200x64xf32, #tpu.memory_space<hbm>> -> memref<1x200x64xf32, #tpu.memory_space<hbm>>
      %dma_start3A_149 = tpu.memref_squeeze %dma_start3A_148 : memref<1x200x64xf32, #tpu.memory_space<hbm>> -> memref<200x64xf32, #tpu.memory_space<hbm>>
      tpu.enqueue_dma source(%arg13 : memref<200x64xf32, #tpu.memory_space<vmem>>) target(%dma_start3A_149 : memref<200x64xf32, #tpu.memory_space<hbm>>) target_semaphore(%dma_start3A_145 : memref<!tpu.dma_semaphore, #tpu.memory_space<semaphore_mem>>)
      %mul3A_150 = arith.constant 4 : i32
      %mul3A_151 = arith.muli %scan3A_78, %mul3A_150 : i32
      %add3A_152 = arith.constant 1 : i32
      %add3A_153 = arith.addi %mul3A_151, %add3A_152 : i32
      %gt3A_154 = arith.constant 0 : i32
      %gt3A_155 = arith.cmpi sgt, %scan3A_78, %gt3A_154 : i32
      %convert_element_type3A_156 = arith.extui %gt3A_155 : i1 to i32
      %cond3A_157 = arith.constant 0 : i32
      %cond3A_158 = arith.cmpi ne, %convert_element_type3A_156, %cond3A_157 : i32
      scf.if %cond3A_158 {
        %dma_wait3A_350 = arith.constant 0 : i32
        %dma_wait3A_351 = arith.constant 1 : i32
        %dma_wait3A_352 = arith.constant 0 : i32
        %dma_wait3A_353 = arith.constant 0 : i32
        %dma_wait3A_354 = tpu.memref_slice %arg5[%dma_wait3A_350, %dma_wait3A_352, %dma_wait3A_353] : memref<4096x200x64xf32, #tpu.memory_space<hbm>> -> memref<1x200x64xf32, #tpu.memory_space<hbm>>
        %dma_wait3A_355 = tpu.memref_squeeze %dma_wait3A_354 : memref<1x200x64xf32, #tpu.memory_space<hbm>> -> memref<200x64xf32, #tpu.memory_space<hbm>>
        %dma_wait3A_356 = tpu.memref_slice %arg17[%dma_wait3A_351] : memref<2x!tpu.dma_semaphore, #tpu.memory_space<semaphore_mem>> -> memref<1x!tpu.dma_semaphore, #tpu.memory_space<semaphore_mem>>
        %dma_wait3A_357 = tpu.memref_squeeze %dma_wait3A_356 : memref<1x!tpu.dma_semaphore, #tpu.memory_space<semaphore_mem>> -> memref<!tpu.dma_semaphore, #tpu.memory_space<semaphore_mem>>
        %dma_wait3A_358 = arith.constant 0 : i32
        %dma_wait3A_359 = arith.constant 0 : i32
        %dma_wait3A_360 = tpu.memref_slice %arg5[%dma_wait3A_350, %dma_wait3A_358, %dma_wait3A_359] : memref<4096x200x64xf32, #tpu.memory_space<hbm>> -> memref<1x200x64xf32, #tpu.memory_space<hbm>>
        %dma_wait3A_361 = tpu.memref_squeeze %dma_wait3A_360 : memref<1x200x64xf32, #tpu.memory_space<hbm>> -> memref<200x64xf32, #tpu.memory_space<hbm>>
        tpu.wait_dma2 semaphore(%dma_wait3A_357 : memref<!tpu.dma_semaphore, #tpu.memory_space<semaphore_mem>>) src(%arg14 : memref<200x64xf32, #tpu.memory_space<vmem>>) dst(%dma_wait3A_361 : memref<200x64xf32, #tpu.memory_space<hbm>>)
      } else {
      }
      %add3A_159 = arith.constant 2 : i32
      %add3A_160 = arith.addi %add3A_153, %add3A_159 : i32
      %add3A_161 = arith.addi %mul3A_2, %add3A_160 : i32
      %mul3A_162 = arith.constant 200 : i32
      %mul3A_163 = arith.muli %add3A_161, %mul3A_162 : i32
      %multiple_of3A_164 = tpu.assume_multiple %mul3A_163, 8 : i32
      %dma_start3A_165 = arith.constant 3 : i32
      %dma_start3A_166 = tpu.memref_slice %arg2[%multiple_of3A_164] : memref<819200xi32, #tpu.memory_space<hbm>> -> memref<200xi32, #tpu.memory_space<hbm>>
      %dma_start3A_167 = tpu.memref_slice %arg15[%dma_start3A_165] : memref<4x!tpu.dma_semaphore, #tpu.memory_space<semaphore_mem>> -> memref<1x!tpu.dma_semaphore, #tpu.memory_space<semaphore_mem>>
      %dma_start3A_168 = tpu.memref_squeeze %dma_start3A_167 : memref<1x!tpu.dma_semaphore, #tpu.memory_space<semaphore_mem>> -> memref<!tpu.dma_semaphore, #tpu.memory_space<semaphore_mem>>
      %dma_start3A_169 = tpu.memref_slice %arg2[%multiple_of3A_164] : memref<819200xi32, #tpu.memory_space<hbm>> -> memref<200xi32, #tpu.memory_space<hbm>>
      tpu.enqueue_dma source(%dma_start3A_169 : memref<200xi32, #tpu.memory_space<hbm>>) target(%arg10 : memref<200xi32, #tpu.memory_space<vmem>>) target_semaphore(%dma_start3A_168 : memref<!tpu.dma_semaphore, #tpu.memory_space<semaphore_mem>>)
      %dma_wait3A_170 = arith.constant 2 : i32
      %dma_wait3A_171 = arith.constant 0 : i32
      %dma_wait3A_172 = tpu.memref_slice %arg2[%dma_wait3A_171] : memref<819200xi32, #tpu.memory_space<hbm>> -> memref<200xi32, #tpu.memory_space<hbm>>
      %dma_wait3A_173 = tpu.memref_slice %arg15[%dma_wait3A_170] : memref<4x!tpu.dma_semaphore, #tpu.memory_space<semaphore_mem>> -> memref<1x!tpu.dma_semaphore, #tpu.memory_space<semaphore_mem>>
      %dma_wait3A_174 = tpu.memref_squeeze %dma_wait3A_173 : memref<1x!tpu.dma_semaphore, #tpu.memory_space<semaphore_mem>> -> memref<!tpu.dma_semaphore, #tpu.memory_space<semaphore_mem>>
      %dma_wait3A_175 = arith.constant 0 : i32
      %dma_wait3A_176 = tpu.memref_slice %arg2[%dma_wait3A_175] : memref<819200xi32, #tpu.memory_space<hbm>> -> memref<200xi32, #tpu.memory_space<hbm>>
      tpu.wait_dma2 semaphore(%dma_wait3A_174 : memref<!tpu.dma_semaphore, #tpu.memory_space<semaphore_mem>>) src(%dma_wait3A_176 : memref<200xi32, #tpu.memory_space<hbm>>) dst(%arg9 : memref<200xi32, #tpu.memory_space<vmem>>)
      %add3A_177 = arith.constant 1 : i32
      %add3A_178 = arith.addi %add3A_153, %add3A_177 : i32
      %dma_start3A_179 = arith.constant 0 : i32
      %dma_start3A_180 = arith.constant 0 : i32
      %dma_start3A_181 = arith.constant 0 : i32
      %dma_start3A_182 = tpu.memref_slice %arg11[%dma_start3A_180, %dma_start3A_181] : memref<200x128xf32, #tpu.memory_space<vmem>> -> memref<104x128xf32, #tpu.memory_space<vmem>>
      %dma_start3A_183 = arith.constant 0 : i32
      %dma_start3A_184 = tpu.memref_slice %arg9[%dma_start3A_183] : memref<200xi32, #tpu.memory_space<vmem>> -> memref<104xi32, #tpu.memory_space<vmem>>
      %dma_start3A_185 = arith.constant 0 : i32
      %dma_start3A_186 = arith.constant 0 : i32
      %dma_start3A_187 = tpu.memref_slice %arg3[%dma_start3A_185, %dma_start3A_186] : memref<1000000x128xf32, #tpu.memory_space<hbm>> -> memref<1000000x128xf32, #tpu.memory_space<hbm>>
      %dma_start3A_188 = tpu.memref_slice %arg16[%dma_start3A_179] : memref<2x!tpu.dma_semaphore, #tpu.memory_space<semaphore_mem>> -> memref<1x!tpu.dma_semaphore, #tpu.memory_space<semaphore_mem>>
      %dma_start3A_189 = tpu.memref_squeeze %dma_start3A_188 : memref<1x!tpu.dma_semaphore, #tpu.memory_space<semaphore_mem>> -> memref<!tpu.dma_semaphore, #tpu.memory_space<semaphore_mem>>
      tpu.enqueue_indirect_dma source(%dma_start3A_187 : memref<1000000x128xf32, #tpu.memory_space<hbm>>) target(%dma_start3A_182 : memref<104x128xf32, #tpu.memory_space<vmem>>) offsets(%dma_start3A_184 : memref<104xi32, #tpu.memory_space<vmem>>) semaphore(%dma_start3A_189 : memref<!tpu.dma_semaphore, #tpu.memory_space<semaphore_mem>>)
      %dma_start3A_190 = arith.constant 0 : i32
      %dma_start3A_191 = arith.constant 104 : i32
      %dma_start3A_192 = arith.constant 0 : i32
      %dma_start3A_193 = tpu.memref_slice %arg11[%dma_start3A_191, %dma_start3A_192] : memref<200x128xf32, #tpu.memory_space<vmem>> -> memref<96x128xf32, #tpu.memory_space<vmem>>
      %dma_start3A_194 = arith.constant 104 : i32
      %dma_start3A_195 = tpu.memref_slice %arg9[%dma_start3A_194] : memref<200xi32, #tpu.memory_space<vmem>> -> memref<96xi32, #tpu.memory_space<vmem>>
      %dma_start3A_196 = arith.constant 0 : i32
      %dma_start3A_197 = arith.constant 0 : i32
      %dma_start3A_198 = tpu.memref_slice %arg3[%dma_start3A_196, %dma_start3A_197] : memref<1000000x128xf32, #tpu.memory_space<hbm>> -> memref<1000000x128xf32, #tpu.memory_space<hbm>>
      %dma_start3A_199 = tpu.memref_slice %arg16[%dma_start3A_190] : memref<2x!tpu.dma_semaphore, #tpu.memory_space<semaphore_mem>> -> memref<1x!tpu.dma_semaphore, #tpu.memory_space<semaphore_mem>>
      %dma_start3A_200 = tpu.memref_squeeze %dma_start3A_199 : memref<1x!tpu.dma_semaphore, #tpu.memory_space<semaphore_mem>> -> memref<!tpu.dma_semaphore, #tpu.memory_space<semaphore_mem>>
      tpu.enqueue_indirect_dma source(%dma_start3A_198 : memref<1000000x128xf32, #tpu.memory_space<hbm>>) target(%dma_start3A_193 : memref<96x128xf32, #tpu.memory_space<vmem>>) offsets(%dma_start3A_195 : memref<96xi32, #tpu.memory_space<vmem>>) semaphore(%dma_start3A_200 : memref<!tpu.dma_semaphore, #tpu.memory_space<semaphore_mem>>)
      %dma_wait3A_201 = arith.constant 1 : i32
      %dma_wait3A_202 = arith.constant 0 : i32
      %dma_wait3A_203 = arith.constant 0 : i32
      %dma_wait3A_204 = tpu.memref_slice %arg3[%dma_wait3A_202, %dma_wait3A_203] : memref<1000000x128xf32, #tpu.memory_space<hbm>> -> memref<200x128xf32, #tpu.memory_space<hbm>>
      %dma_wait3A_205 = tpu.memref_slice %arg16[%dma_wait3A_201] : memref<2x!tpu.dma_semaphore, #tpu.memory_space<semaphore_mem>> -> memref<1x!tpu.dma_semaphore, #tpu.memory_space<semaphore_mem>>
      %dma_wait3A_206 = tpu.memref_squeeze %dma_wait3A_205 : memref<1x!tpu.dma_semaphore, #tpu.memory_space<semaphore_mem>> -> memref<!tpu.dma_semaphore, #tpu.memory_space<semaphore_mem>>
      %dma_wait3A_207 = arith.constant 0 : i32
      %dma_wait3A_208 = arith.constant 0 : i32
      %dma_wait3A_209 = tpu.memref_slice %arg3[%dma_wait3A_207, %dma_wait3A_208] : memref<1000000x128xf32, #tpu.memory_space<hbm>> -> memref<200x128xf32, #tpu.memory_space<hbm>>
      tpu.wait_dma2 semaphore(%dma_wait3A_206 : memref<!tpu.dma_semaphore, #tpu.memory_space<semaphore_mem>>) src(%dma_wait3A_209 : memref<200x128xf32, #tpu.memory_space<hbm>>) dst(%arg12 : memref<200x128xf32, #tpu.memory_space<vmem>>)
      %parallel_loop3A_210 = arith.constant 0 : i32
      %parallel_loop3A_211 = arith.constant 200 : i32
      %parallel_loop3A_212 = arith.constant 1 : i32
      scf.for %parallel_loop3A_350 = %parallel_loop3A_210 to %parallel_loop3A_211 step %parallel_loop3A_212  : i32 {
        %parallel_loop3A_351 = arith.index_cast %parallel_loop3A_350 : i32 to index
        %parallel_loop3A_352 = arith.constant 0 : index
        %parallel_loop3A_353 = tpu.vector_load %arg12[%parallel_loop3A_351, %parallel_loop3A_352] {strides = array<i32>} : memref<200x128xf32, #tpu.memory_space<vmem>>, vector<1x16xf32>,
        %parallel_loop3A_354 = vector.shape_cast %parallel_loop3A_353 : vector<1x16xf32> to vector<16xf32>
        %parallel_loop3A_355 = arith.index_cast %parallel_loop3A_350 : i32 to index
        %parallel_loop3A_356 = arith.constant 0 : index
        %parallel_loop3A_357 = tpu.vector_load %arg6[%parallel_loop3A_355, %parallel_loop3A_356] {strides = array<i32>} : memref<200x64xf32, #tpu.memory_space<vmem>>, vector<1x16xf32>,
        %parallel_loop3A_358 = vector.shape_cast %parallel_loop3A_357 : vector<1x16xf32> to vector<16xf32>
        %parallel_loop3A_359 = arith.addf %parallel_loop3A_354, %parallel_loop3A_358 : vector<16xf32>
        %parallel_loop3A_360 = arith.index_cast %parallel_loop3A_350 : i32 to index
        %parallel_loop3A_361 = arith.constant 0 : index
        %parallel_loop3A_362 = tpu.vector_load %arg14[%parallel_loop3A_360, %parallel_loop3A_361] {strides = array<i32>} : memref<200x64xf32, #tpu.memory_space<vmem>>, vector<1x16xf32>,
        %parallel_loop3A_363 = vector.shape_cast %parallel_loop3A_362 : vector<1x16xf32> to vector<16xf32>
        %parallel_loop3A_364 = vector.shape_cast %parallel_loop3A_359 : vector<16xf32> to vector<1x16xf32>
        tpu.vector_store %arg14[%parallel_loop3A_360, %parallel_loop3A_361], %parallel_loop3A_364 {strides = array<i32>} : memref<200x64xf32, #tpu.memory_space<vmem>>, vector<1x16xf32>,
        %parallel_loop3A_365 = arith.index_cast %parallel_loop3A_350 : i32 to index
        %parallel_loop3A_366 = arith.constant 16 : index
        %parallel_loop3A_367 = tpu.vector_load %arg12[%parallel_loop3A_365, %parallel_loop3A_366] {strides = array<i32>} : memref<200x128xf32, #tpu.memory_space<vmem>>, vector<1x16xf32>,
        %parallel_loop3A_368 = vector.shape_cast %parallel_loop3A_367 : vector<1x16xf32> to vector<16xf32>
        %parallel_loop3A_369 = arith.index_cast %parallel_loop3A_350 : i32 to index
        %parallel_loop3A_370 = arith.constant 16 : index
        %parallel_loop3A_371 = tpu.vector_load %arg6[%parallel_loop3A_369, %parallel_loop3A_370] {strides = array<i32>} : memref<200x64xf32, #tpu.memory_space<vmem>>, vector<1x16xf32>,
        %parallel_loop3A_372 = vector.shape_cast %parallel_loop3A_371 : vector<1x16xf32> to vector<16xf32>
        %parallel_loop3A_373 = arith.addf %parallel_loop3A_368, %parallel_loop3A_372 : vector<16xf32>
        %parallel_loop3A_374 = arith.index_cast %parallel_loop3A_350 : i32 to index
        %parallel_loop3A_375 = arith.constant 16 : index
        %parallel_loop3A_376 = tpu.vector_load %arg14[%parallel_loop3A_374, %parallel_loop3A_375] {strides = array<i32>} : memref<200x64xf32, #tpu.memory_space<vmem>>, vector<1x16xf32>,
        %parallel_loop3A_377 = vector.shape_cast %parallel_loop3A_376 : vector<1x16xf32> to vector<16xf32>
        %parallel_loop3A_378 = vector.shape_cast %parallel_loop3A_373 : vector<16xf32> to vector<1x16xf32>
        tpu.vector_store %arg14[%parallel_loop3A_374, %parallel_loop3A_375], %parallel_loop3A_378 {strides = array<i32>} : memref<200x64xf32, #tpu.memory_space<vmem>>, vector<1x16xf32>,
        %parallel_loop3A_379 = arith.index_cast %parallel_loop3A_350 : i32 to index
        %parallel_loop3A_380 = arith.constant 32 : index
        %parallel_loop3A_381 = tpu.vector_load %arg12[%parallel_loop3A_379, %parallel_loop3A_380] {strides = array<i32>} : memref<200x128xf32, #tpu.memory_space<vmem>>, vector<1x16xf32>,
        %parallel_loop3A_382 = vector.shape_cast %parallel_loop3A_381 : vector<1x16xf32> to vector<16xf32>
        %parallel_loop3A_383 = arith.index_cast %parallel_loop3A_350 : i32 to index
        %parallel_loop3A_384 = arith.constant 32 : index
        %parallel_loop3A_385 = tpu.vector_load %arg6[%parallel_loop3A_383, %parallel_loop3A_384] {strides = array<i32>} : memref<200x64xf32, #tpu.memory_space<vmem>>, vector<1x16xf32>,
        %parallel_loop3A_386 = vector.shape_cast %parallel_loop3A_385 : vector<1x16xf32> to vector<16xf32>
        %parallel_loop3A_387 = arith.addf %parallel_loop3A_382, %parallel_loop3A_386 : vector<16xf32>
        %parallel_loop3A_388 = arith.index_cast %parallel_loop3A_350 : i32 to index
        %parallel_loop3A_389 = arith.constant 32 : index
        %parallel_loop3A_390 = tpu.vector_load %arg14[%parallel_loop3A_388, %parallel_loop3A_389] {strides = array<i32>} : memref<200x64xf32, #tpu.memory_space<vmem>>, vector<1x16xf32>,
        %parallel_loop3A_391 = vector.shape_cast %parallel_loop3A_390 : vector<1x16xf32> to vector<16xf32>
        %parallel_loop3A_392 = vector.shape_cast %parallel_loop3A_387 : vector<16xf32> to vector<1x16xf32>
        tpu.vector_store %arg14[%parallel_loop3A_388, %parallel_loop3A_389], %parallel_loop3A_392 {strides = array<i32>} : memref<200x64xf32, #tpu.memory_space<vmem>>, vector<1x16xf32>,
        %parallel_loop3A_393 = arith.index_cast %parallel_loop3A_350 : i32 to index
        %parallel_loop3A_394 = arith.constant 48 : index
        %parallel_loop3A_395 = tpu.vector_load %arg12[%parallel_loop3A_393, %parallel_loop3A_394] {strides = array<i32>} : memref<200x128xf32, #tpu.memory_space<vmem>>, vector<1x16xf32>,
        %parallel_loop3A_396 = vector.shape_cast %parallel_loop3A_395 : vector<1x16xf32> to vector<16xf32>
        %parallel_loop3A_397 = arith.index_cast %parallel_loop3A_350 : i32 to index
        %parallel_loop3A_398 = arith.constant 48 : index
        %parallel_loop3A_399 = tpu.vector_load %arg6[%parallel_loop3A_397, %parallel_loop3A_398] {strides = array<i32>} : memref<200x64xf32, #tpu.memory_space<vmem>>, vector<1x16xf32>,
        %parallel_loop3A_400 = vector.shape_cast %parallel_loop3A_399 : vector<1x16xf32> to vector<16xf32>
        %parallel_loop3A_401 = arith.addf %parallel_loop3A_396, %parallel_loop3A_400 : vector<16xf32>
        %parallel_loop3A_402 = arith.index_cast %parallel_loop3A_350 : i32 to index
        %parallel_loop3A_403 = arith.constant 48 : index
        %parallel_loop3A_404 = tpu.vector_load %arg14[%parallel_loop3A_402, %parallel_loop3A_403] {strides = array<i32>} : memref<200x64xf32, #tpu.memory_space<vmem>>, vector<1x16xf32>,
        %parallel_loop3A_405 = vector.shape_cast %parallel_loop3A_404 : vector<1x16xf32> to vector<16xf32>
        %parallel_loop3A_406 = vector.shape_cast %parallel_loop3A_401 : vector<16xf32> to vector<1x16xf32>
        tpu.vector_store %arg14[%parallel_loop3A_402, %parallel_loop3A_403], %parallel_loop3A_406 {strides = array<i32>} : memref<200x64xf32, #tpu.memory_space<vmem>>, vector<1x16xf32>,
      } {sc.loop_unroll_factor = 4 : i64, sc.parallel_access}
      %add3A_213 = arith.addi %mul3A_2, %add3A_153 : i32
      %dma_start3A_214 = arith.constant 1 : i32
      %dma_start3A_215 = arith.constant 0 : i32
      %dma_start3A_216 = arith.constant 0 : i32
      %dma_start3A_217 = tpu.memref_slice %arg5[%add3A_213, %dma_start3A_215, %dma_start3A_216] : memref<4096x200x64xf32, #tpu.memory_space<hbm>> -> memref<1x200x64xf32, #tpu.memory_space<hbm>>
      %dma_start3A_218 = tpu.memref_squeeze %dma_start3A_217 : memref<1x200x64xf32, #tpu.memory_space<hbm>> -> memref<200x64xf32, #tpu.memory_space<hbm>>
      %dma_start3A_219 = tpu.memref_slice %arg17[%dma_start3A_214] : memref<2x!tpu.dma_semaphore, #tpu.memory_space<semaphore_mem>> -> memref<1x!tpu.dma_semaphore, #tpu.memory_space<semaphore_mem>>
      %dma_start3A_220 = tpu.memref_squeeze %dma_start3A_219 : memref<1x!tpu.dma_semaphore, #tpu.memory_space<semaphore_mem>> -> memref<!tpu.dma_semaphore, #tpu.memory_space<semaphore_mem>>
      %dma_start3A_221 = arith.constant 0 : i32
      %dma_start3A_222 = arith.constant 0 : i32
      %dma_start3A_223 = tpu.memref_slice %arg5[%add3A_213, %dma_start3A_221, %dma_start3A_222] : memref<4096x200x64xf32, #tpu.memory_space<hbm>> -> memref<1x200x64xf32, #tpu.memory_space<hbm>>
      %dma_start3A_224 = tpu.memref_squeeze %dma_start3A_223 : memref<1x200x64xf32, #tpu.memory_space<hbm>> -> memref<200x64xf32, #tpu.memory_space<hbm>>
      tpu.enqueue_dma source(%arg14 : memref<200x64xf32, #tpu.memory_space<vmem>>) target(%dma_start3A_224 : memref<200x64xf32, #tpu.memory_space<hbm>>) target_semaphore(%dma_start3A_220 : memref<!tpu.dma_semaphore, #tpu.memory_space<semaphore_mem>>)
      %mul3A_225 = arith.constant 4 : i32
      %mul3A_226 = arith.muli %scan3A_78, %mul3A_225 : i32
      %add3A_227 = arith.constant 2 : i32
      %add3A_228 = arith.addi %mul3A_226, %add3A_227 : i32
      %dma_wait3A_229 = arith.constant 0 : i32
      %dma_wait3A_230 = arith.constant 0 : i32
      %dma_wait3A_231 = arith.constant 0 : i32
      %dma_wait3A_232 = arith.constant 0 : i32
      %dma_wait3A_233 = tpu.memref_slice %arg5[%dma_wait3A_229, %dma_wait3A_231, %dma_wait3A_232] : memref<4096x200x64xf32, #tpu.memory_space<hbm>> -> memref<1x200x64xf32, #tpu.memory_space<hbm>>
      %dma_wait3A_234 = tpu.memref_squeeze %dma_wait3A_233 : memref<1x200x64xf32, #tpu.memory_space<hbm>> -> memref<200x64xf32, #tpu.memory_space<hbm>>
      %dma_wait3A_235 = tpu.memref_slice %arg17[%dma_wait3A_230] : memref<2x!tpu.dma_semaphore, #tpu.memory_space<semaphore_mem>> -> memref<1x!tpu.dma_semaphore, #tpu.memory_space<semaphore_mem>>
      %dma_wait3A_236 = tpu.memref_squeeze %dma_wait3A_235 : memref<1x!tpu.dma_semaphore, #tpu.memory_space<semaphore_mem>> -> memref<!tpu.dma_semaphore, #tpu.memory_space<semaphore_mem>>
      %dma_wait3A_237 = arith.constant 0 : i32
      %dma_wait3A_238 = arith.constant 0 : i32
      %dma_wait3A_239 = tpu.memref_slice %arg5[%dma_wait3A_229, %dma_wait3A_237, %dma_wait3A_238] : memref<4096x200x64xf32, #tpu.memory_space<hbm>> -> memref<1x200x64xf32, #tpu.memory_space<hbm>>
      %dma_wait3A_240 = tpu.memref_squeeze %dma_wait3A_239 : memref<1x200x64xf32, #tpu.memory_space<hbm>> -> memref<200x64xf32, #tpu.memory_space<hbm>>
      tpu.wait_dma2 semaphore(%dma_wait3A_236 : memref<!tpu.dma_semaphore, #tpu.memory_space<semaphore_mem>>) src(%arg13 : memref<200x64xf32, #tpu.memory_space<vmem>>) dst(%dma_wait3A_240 : memref<200x64xf32, #tpu.memory_space<hbm>>)
      %lt3A = arith.constant 31 : i32
      %lt3A_241 = arith.cmpi slt, %scan3A_78, %lt3A : i32
      %convert_element_type3A_242 = arith.extui %lt3A_241 : i1 to i32
      %cond3A_243 = arith.constant 0 : i32
      %cond3A_244 = arith.cmpi ne, %convert_element_type3A_242, %cond3A_243 : i32
      scf.if %cond3A_244 {
        %add3A_350 = arith.constant 2 : i32
        %add3A_351 = arith.addi %add3A_228, %add3A_350 : i32
        %add3A_352 = arith.addi %mul3A_2, %add3A_351 : i32
        %mul3A_353 = arith.constant 200 : i32
        %mul3A_354 = arith.muli %add3A_352, %mul3A_353 : i32
        %multiple_of3A_355 = tpu.assume_multiple %mul3A_354, 8 : i32
        %dma_start3A_356 = arith.constant 0 : i32
        %dma_start3A_357 = tpu.memref_slice %arg2[%multiple_of3A_355] : memref<819200xi32, #tpu.memory_space<hbm>> -> memref<200xi32, #tpu.memory_space<hbm>>
        %dma_start3A_358 = tpu.memref_slice %arg15[%dma_start3A_356] : memref<4x!tpu.dma_semaphore, #tpu.memory_space<semaphore_mem>> -> memref<1x!tpu.dma_semaphore, #tpu.memory_space<semaphore_mem>>
        %dma_start3A_359 = tpu.memref_squeeze %dma_start3A_358 : memref<1x!tpu.dma_semaphore, #tpu.memory_space<semaphore_mem>> -> memref<!tpu.dma_semaphore, #tpu.memory_space<semaphore_mem>>
        %dma_start3A_360 = tpu.memref_slice %arg2[%multiple_of3A_355] : memref<819200xi32, #tpu.memory_space<hbm>> -> memref<200xi32, #tpu.memory_space<hbm>>
        tpu.enqueue_dma source(%dma_start3A_360 : memref<200xi32, #tpu.memory_space<hbm>>) target(%arg7 : memref<200xi32, #tpu.memory_space<vmem>>) target_semaphore(%dma_start3A_359 : memref<!tpu.dma_semaphore, #tpu.memory_space<semaphore_mem>>)
      } else {
      }
      %dma_wait3A_245 = arith.constant 3 : i32
      %dma_wait3A_246 = arith.constant 0 : i32
      %dma_wait3A_247 = tpu.memref_slice %arg2[%dma_wait3A_246] : memref<819200xi32, #tpu.memory_space<hbm>> -> memref<200xi32, #tpu.memory_space<hbm>>
      %dma_wait3A_248 = tpu.memref_slice %arg15[%dma_wait3A_245] : memref<4x!tpu.dma_semaphore, #tpu.memory_space<semaphore_mem>> -> memref<1x!tpu.dma_semaphore, #tpu.memory_space<semaphore_mem>>
      %dma_wait3A_249 = tpu.memref_squeeze %dma_wait3A_248 : memref<1x!tpu.dma_semaphore, #tpu.memory_space<semaphore_mem>> -> memref<!tpu.dma_semaphore, #tpu.memory_space<semaphore_mem>>
      %dma_wait3A_250 = arith.constant 0 : i32
      %dma_wait3A_251 = tpu.memref_slice %arg2[%dma_wait3A_250] : memref<819200xi32, #tpu.memory_space<hbm>> -> memref<200xi32, #tpu.memory_space<hbm>>
      tpu.wait_dma2 semaphore(%dma_wait3A_249 : memref<!tpu.dma_semaphore, #tpu.memory_space<semaphore_mem>>) src(%dma_wait3A_251 : memref<200xi32, #tpu.memory_space<hbm>>) dst(%arg10 : memref<200xi32, #tpu.memory_space<vmem>>)
      %add3A_252 = arith.constant 1 : i32
      %add3A_253 = arith.addi %add3A_228, %add3A_252 : i32
      %dma_start3A_254 = arith.constant 1 : i32
      %dma_start3A_255 = arith.constant 0 : i32
      %dma_start3A_256 = arith.constant 0 : i32
      %dma_start3A_257 = tpu.memref_slice %arg12[%dma_start3A_255, %dma_start3A_256] : memref<200x128xf32, #tpu.memory_space<vmem>> -> memref<104x128xf32, #tpu.memory_space<vmem>>
      %dma_start3A_258 = arith.constant 0 : i32
      %dma_start3A_259 = tpu.memref_slice %arg10[%dma_start3A_258] : memref<200xi32, #tpu.memory_space<vmem>> -> memref<104xi32, #tpu.memory_space<vmem>>
      %dma_start3A_260 = arith.constant 0 : i32
      %dma_start3A_261 = arith.constant 0 : i32
      %dma_start3A_262 = tpu.memref_slice %arg3[%dma_start3A_260, %dma_start3A_261] : memref<1000000x128xf32, #tpu.memory_space<hbm>> -> memref<1000000x128xf32, #tpu.memory_space<hbm>>
      %dma_start3A_263 = tpu.memref_slice %arg16[%dma_start3A_254] : memref<2x!tpu.dma_semaphore, #tpu.memory_space<semaphore_mem>> -> memref<1x!tpu.dma_semaphore, #tpu.memory_space<semaphore_mem>>
      %dma_start3A_264 = tpu.memref_squeeze %dma_start3A_263 : memref<1x!tpu.dma_semaphore, #tpu.memory_space<semaphore_mem>> -> memref<!tpu.dma_semaphore, #tpu.memory_space<semaphore_mem>>
      tpu.enqueue_indirect_dma source(%dma_start3A_262 : memref<1000000x128xf32, #tpu.memory_space<hbm>>) target(%dma_start3A_257 : memref<104x128xf32, #tpu.memory_space<vmem>>) offsets(%dma_start3A_259 : memref<104xi32, #tpu.memory_space<vmem>>) semaphore(%dma_start3A_264 : memref<!tpu.dma_semaphore, #tpu.memory_space<semaphore_mem>>)
      %dma_start3A_265 = arith.constant 1 : i32
      %dma_start3A_266 = arith.constant 104 : i32
      %dma_start3A_267 = arith.constant 0 : i32
      %dma_start3A_268 = tpu.memref_slice %arg12[%dma_start3A_266, %dma_start3A_267] : memref<200x128xf32, #tpu.memory_space<vmem>> -> memref<96x128xf32, #tpu.memory_space<vmem>>
      %dma_start3A_269 = arith.constant 104 : i32
      %dma_start3A_270 = tpu.memref_slice %arg10[%dma_start3A_269] : memref<200xi32, #tpu.memory_space<vmem>> -> memref<96xi32, #tpu.memory_space<vmem>>
      %dma_start3A_271 = arith.constant 0 : i32
      %dma_start3A_272 = arith.constant 0 : i32
      %dma_start3A_273 = tpu.memref_slice %arg3[%dma_start3A_271, %dma_start3A_272] : memref<1000000x128xf32, #tpu.memory_space<hbm>> -> memref<1000000x128xf32, #tpu.memory_space<hbm>>
      %dma_start3A_274 = tpu.memref_slice %arg16[%dma_start3A_265] : memref<2x!tpu.dma_semaphore, #tpu.memory_space<semaphore_mem>> -> memref<1x!tpu.dma_semaphore, #tpu.memory_space<semaphore_mem>>
      %dma_start3A_275 = tpu.memref_squeeze %dma_start3A_274 : memref<1x!tpu.dma_semaphore, #tpu.memory_space<semaphore_mem>> -> memref<!tpu.dma_semaphore, #tpu.memory_space<semaphore_mem>>
      tpu.enqueue_indirect_dma source(%dma_start3A_273 : memref<1000000x128xf32, #tpu.memory_space<hbm>>) target(%dma_start3A_268 : memref<96x128xf32, #tpu.memory_space<vmem>>) offsets(%dma_start3A_270 : memref<96xi32, #tpu.memory_space<vmem>>) semaphore(%dma_start3A_275 : memref<!tpu.dma_semaphore, #tpu.memory_space<semaphore_mem>>)
      %dma_wait3A_276 = arith.constant 0 : i32
      %dma_wait3A_277 = arith.constant 0 : i32
      %dma_wait3A_278 = arith.constant 0 : i32
      %dma_wait3A_279 = tpu.memref_slice %arg3[%dma_wait3A_277, %dma_wait3A_278] : memref<1000000x128xf32, #tpu.memory_space<hbm>> -> memref<200x128xf32, #tpu.memory_space<hbm>>
      %dma_wait3A_280 = tpu.memref_slice %arg16[%dma_wait3A_276] : memref<2x!tpu.dma_semaphore, #tpu.memory_space<semaphore_mem>> -> memref<1x!tpu.dma_semaphore, #tpu.memory_space<semaphore_mem>>
      %dma_wait3A_281 = tpu.memref_squeeze %dma_wait3A_280 : memref<1x!tpu.dma_semaphore, #tpu.memory_space<semaphore_mem>> -> memref<!tpu.dma_semaphore, #tpu.memory_space<semaphore_mem>>
      %dma_wait3A_282 = arith.constant 0 : i32
      %dma_wait3A_283 = arith.constant 0 : i32
      %dma_wait3A_284 = tpu.memref_slice %arg3[%dma_wait3A_282, %dma_wait3A_283] : memref<1000000x128xf32, #tpu.memory_space<hbm>> -> memref<200x128xf32, #tpu.memory_space<hbm>>
      tpu.wait_dma2 semaphore(%dma_wait3A_281 : memref<!tpu.dma_semaphore, #tpu.memory_space<semaphore_mem>>) src(%dma_wait3A_284 : memref<200x128xf32, #tpu.memory_space<hbm>>) dst(%arg11 : memref<200x128xf32, #tpu.memory_space<vmem>>)
      %parallel_loop3A_285 = arith.constant 0 : i32
      %parallel_loop3A_286 = arith.constant 200 : i32
      %parallel_loop3A_287 = arith.constant 1 : i32
      scf.for %parallel_loop3A_350 = %parallel_loop3A_285 to %parallel_loop3A_286 step %parallel_loop3A_287  : i32 {
        %parallel_loop3A_351 = arith.index_cast %parallel_loop3A_350 : i32 to index
        %parallel_loop3A_352 = arith.constant 0 : index
        %parallel_loop3A_353 = tpu.vector_load %arg11[%parallel_loop3A_351, %parallel_loop3A_352] {strides = array<i32>} : memref<200x128xf32, #tpu.memory_space<vmem>>, vector<1x16xf32>,
        %parallel_loop3A_354 = vector.shape_cast %parallel_loop3A_353 : vector<1x16xf32> to vector<16xf32>
        %parallel_loop3A_355 = arith.index_cast %parallel_loop3A_350 : i32 to index
        %parallel_loop3A_356 = arith.constant 0 : index
        %parallel_loop3A_357 = tpu.vector_load %arg6[%parallel_loop3A_355, %parallel_loop3A_356] {strides = array<i32>} : memref<200x64xf32, #tpu.memory_space<vmem>>, vector<1x16xf32>,
        %parallel_loop3A_358 = vector.shape_cast %parallel_loop3A_357 : vector<1x16xf32> to vector<16xf32>
        %parallel_loop3A_359 = arith.addf %parallel_loop3A_354, %parallel_loop3A_358 : vector<16xf32>
        %parallel_loop3A_360 = arith.index_cast %parallel_loop3A_350 : i32 to index
        %parallel_loop3A_361 = arith.constant 0 : index
        %parallel_loop3A_362 = tpu.vector_load %arg13[%parallel_loop3A_360, %parallel_loop3A_361] {strides = array<i32>} : memref<200x64xf32, #tpu.memory_space<vmem>>, vector<1x16xf32>,
        %parallel_loop3A_363 = vector.shape_cast %parallel_loop3A_362 : vector<1x16xf32> to vector<16xf32>
        %parallel_loop3A_364 = vector.shape_cast %parallel_loop3A_359 : vector<16xf32> to vector<1x16xf32>
        tpu.vector_store %arg13[%parallel_loop3A_360, %parallel_loop3A_361], %parallel_loop3A_364 {strides = array<i32>} : memref<200x64xf32, #tpu.memory_space<vmem>>, vector<1x16xf32>,
        %parallel_loop3A_365 = arith.index_cast %parallel_loop3A_350 : i32 to index
        %parallel_loop3A_366 = arith.constant 16 : index
        %parallel_loop3A_367 = tpu.vector_load %arg11[%parallel_loop3A_365, %parallel_loop3A_366] {strides = array<i32>} : memref<200x128xf32, #tpu.memory_space<vmem>>, vector<1x16xf32>,
        %parallel_loop3A_368 = vector.shape_cast %parallel_loop3A_367 : vector<1x16xf32> to vector<16xf32>
        %parallel_loop3A_369 = arith.index_cast %parallel_loop3A_350 : i32 to index
        %parallel_loop3A_370 = arith.constant 16 : index
        %parallel_loop3A_371 = tpu.vector_load %arg6[%parallel_loop3A_369, %parallel_loop3A_370] {strides = array<i32>} : memref<200x64xf32, #tpu.memory_space<vmem>>, vector<1x16xf32>,
        %parallel_loop3A_372 = vector.shape_cast %parallel_loop3A_371 : vector<1x16xf32> to vector<16xf32>
        %parallel_loop3A_373 = arith.addf %parallel_loop3A_368, %parallel_loop3A_372 : vector<16xf32>
        %parallel_loop3A_374 = arith.index_cast %parallel_loop3A_350 : i32 to index
        %parallel_loop3A_375 = arith.constant 16 : index
        %parallel_loop3A_376 = tpu.vector_load %arg13[%parallel_loop3A_374, %parallel_loop3A_375] {strides = array<i32>} : memref<200x64xf32, #tpu.memory_space<vmem>>, vector<1x16xf32>,
        %parallel_loop3A_377 = vector.shape_cast %parallel_loop3A_376 : vector<1x16xf32> to vector<16xf32>
        %parallel_loop3A_378 = vector.shape_cast %parallel_loop3A_373 : vector<16xf32> to vector<1x16xf32>
        tpu.vector_store %arg13[%parallel_loop3A_374, %parallel_loop3A_375], %parallel_loop3A_378 {strides = array<i32>} : memref<200x64xf32, #tpu.memory_space<vmem>>, vector<1x16xf32>,
        %parallel_loop3A_379 = arith.index_cast %parallel_loop3A_350 : i32 to index
        %parallel_loop3A_380 = arith.constant 32 : index
        %parallel_loop3A_381 = tpu.vector_load %arg11[%parallel_loop3A_379, %parallel_loop3A_380] {strides = array<i32>} : memref<200x128xf32, #tpu.memory_space<vmem>>, vector<1x16xf32>,
        %parallel_loop3A_382 = vector.shape_cast %parallel_loop3A_381 : vector<1x16xf32> to vector<16xf32>
        %parallel_loop3A_383 = arith.index_cast %parallel_loop3A_350 : i32 to index
        %parallel_loop3A_384 = arith.constant 32 : index
        %parallel_loop3A_385 = tpu.vector_load %arg6[%parallel_loop3A_383, %parallel_loop3A_384] {strides = array<i32>} : memref<200x64xf32, #tpu.memory_space<vmem>>, vector<1x16xf32>,
        %parallel_loop3A_386 = vector.shape_cast %parallel_loop3A_385 : vector<1x16xf32> to vector<16xf32>
        %parallel_loop3A_387 = arith.addf %parallel_loop3A_382, %parallel_loop3A_386 : vector<16xf32>
        %parallel_loop3A_388 = arith.index_cast %parallel_loop3A_350 : i32 to index
        %parallel_loop3A_389 = arith.constant 32 : index
        %parallel_loop3A_390 = tpu.vector_load %arg13[%parallel_loop3A_388, %parallel_loop3A_389] {strides = array<i32>} : memref<200x64xf32, #tpu.memory_space<vmem>>, vector<1x16xf32>,
        %parallel_loop3A_391 = vector.shape_cast %parallel_loop3A_390 : vector<1x16xf32> to vector<16xf32>
        %parallel_loop3A_392 = vector.shape_cast %parallel_loop3A_387 : vector<16xf32> to vector<1x16xf32>
        tpu.vector_store %arg13[%parallel_loop3A_388, %parallel_loop3A_389], %parallel_loop3A_392 {strides = array<i32>} : memref<200x64xf32, #tpu.memory_space<vmem>>, vector<1x16xf32>,
        %parallel_loop3A_393 = arith.index_cast %parallel_loop3A_350 : i32 to index
        %parallel_loop3A_394 = arith.constant 48 : index
        %parallel_loop3A_395 = tpu.vector_load %arg11[%parallel_loop3A_393, %parallel_loop3A_394] {strides = array<i32>} : memref<200x128xf32, #tpu.memory_space<vmem>>, vector<1x16xf32>,
        %parallel_loop3A_396 = vector.shape_cast %parallel_loop3A_395 : vector<1x16xf32> to vector<16xf32>
        %parallel_loop3A_397 = arith.index_cast %parallel_loop3A_350 : i32 to index
        %parallel_loop3A_398 = arith.constant 48 : index
        %parallel_loop3A_399 = tpu.vector_load %arg6[%parallel_loop3A_397, %parallel_loop3A_398] {strides = array<i32>} : memref<200x64xf32, #tpu.memory_space<vmem>>, vector<1x16xf32>,
        %parallel_loop3A_400 = vector.shape_cast %parallel_loop3A_399 : vector<1x16xf32> to vector<16xf32>
        %parallel_loop3A_401 = arith.addf %parallel_loop3A_396, %parallel_loop3A_400 : vector<16xf32>
        %parallel_loop3A_402 = arith.index_cast %parallel_loop3A_350 : i32 to index
        %parallel_loop3A_403 = arith.constant 48 : index
        %parallel_loop3A_404 = tpu.vector_load %arg13[%parallel_loop3A_402, %parallel_loop3A_403] {strides = array<i32>} : memref<200x64xf32, #tpu.memory_space<vmem>>, vector<1x16xf32>,
        %parallel_loop3A_405 = vector.shape_cast %parallel_loop3A_404 : vector<1x16xf32> to vector<16xf32>
        %parallel_loop3A_406 = vector.shape_cast %parallel_loop3A_401 : vector<16xf32> to vector<1x16xf32>
        tpu.vector_store %arg13[%parallel_loop3A_402, %parallel_loop3A_403], %parallel_loop3A_406 {strides = array<i32>} : memref<200x64xf32, #tpu.memory_space<vmem>>, vector<1x16xf32>,
      } {sc.loop_unroll_factor = 4 : i64, sc.parallel_access}
      %add3A_288 = arith.addi %mul3A_2, %add3A_228 : i32
      %dma_start3A_289 = arith.constant 0 : i32
      %dma_start3A_290 = arith.constant 0 : i32
      %dma_start3A_291 = arith.constant 0 : i32
      %dma_start3A_292 = tpu.memref_slice %arg5[%add3A_288, %dma_start3A_290, %dma_start3A_291] : memref<4096x200x64xf32, #tpu.memory_space<hbm>> -> memref<1x200x64xf32, #tpu.memory_space<hbm>>
      %dma_start3A_293 = tpu.memref_squeeze %dma_start3A_292 : memref<1x200x64xf32, #tpu.memory_space<hbm>> -> memref<200x64xf32, #tpu.memory_space<hbm>>
      %dma_start3A_294 = tpu.memref_slice %arg17[%dma_start3A_289] : memref<2x!tpu.dma_semaphore, #tpu.memory_space<semaphore_mem>> -> memref<1x!tpu.dma_semaphore, #tpu.memory_space<semaphore_mem>>
      %dma_start3A_295 = tpu.memref_squeeze %dma_start3A_294 : memref<1x!tpu.dma_semaphore, #tpu.memory_space<semaphore_mem>> -> memref<!tpu.dma_semaphore, #tpu.memory_space<semaphore_mem>>
      %dma_start3A_296 = arith.constant 0 : i32
      %dma_start3A_297 = arith.constant 0 : i32
      %dma_start3A_298 = tpu.memref_slice %arg5[%add3A_288, %dma_start3A_296, %dma_start3A_297] : memref<4096x200x64xf32, #tpu.memory_space<hbm>> -> memref<1x200x64xf32, #tpu.memory_space<hbm>>
      %dma_start3A_299 = tpu.memref_squeeze %dma_start3A_298 : memref<1x200x64xf32, #tpu.memory_space<hbm>> -> memref<200x64xf32, #tpu.memory_space<hbm>>
      tpu.enqueue_dma source(%arg13 : memref<200x64xf32, #tpu.memory_space<vmem>>) target(%dma_start3A_299 : memref<200x64xf32, #tpu.memory_space<hbm>>) target_semaphore(%dma_start3A_295 : memref<!tpu.dma_semaphore, #tpu.memory_space<semaphore_mem>>)
      %mul3A_300 = arith.constant 4 : i32
      %mul3A_301 = arith.muli %scan3A_78, %mul3A_300 : i32
      %add3A_302 = arith.constant 3 : i32
      %add3A_303 = arith.addi %mul3A_301, %add3A_302 : i32
      %dma_wait3A_304 = arith.constant 0 : i32
      %dma_wait3A_305 = arith.constant 1 : i32
      %dma_wait3A_306 = arith.constant 0 : i32
      %dma_wait3A_307 = arith.constant 0 : i32
      %dma_wait3A_308 = tpu.memref_slice %arg5[%dma_wait3A_304, %dma_wait3A_306, %dma_wait3A_307] : memref<4096x200x64xf32, #tpu.memory_space<hbm>> -> memref<1x200x64xf32, #tpu.memory_space<hbm>>
      %dma_wait3A_309 = tpu.memref_squeeze %dma_wait3A_308 : memref<1x200x64xf32, #tpu.memory_space<hbm>> -> memref<200x64xf32, #tpu.memory_space<hbm>>
      %dma_wait3A_310 = tpu.memref_slice %arg17[%dma_wait3A_305] : memref<2x!tpu.dma_semaphore, #tpu.memory_space<semaphore_mem>> -> memref<1x!tpu.dma_semaphore, #tpu.memory_space<semaphore_mem>>
      %dma_wait3A_311 = tpu.memref_squeeze %dma_wait3A_310 : memref<1x!tpu.dma_semaphore, #tpu.memory_space<semaphore_mem>> -> memref<!tpu.dma_semaphore, #tpu.memory_space<semaphore_mem>>
      %dma_wait3A_312 = arith.constant 0 : i32
      %dma_wait3A_313 = arith.constant 0 : i32
      %dma_wait3A_314 = tpu.memref_slice %arg5[%dma_wait3A_304, %dma_wait3A_312, %dma_wait3A_313] : memref<4096x200x64xf32, #tpu.memory_space<hbm>> -> memref<1x200x64xf32, #tpu.memory_space<hbm>>
      %dma_wait3A_315 = tpu.memref_squeeze %dma_wait3A_314 : memref<1x200x64xf32, #tpu.memory_space<hbm>> -> memref<200x64xf32, #tpu.memory_space<hbm>>
      tpu.wait_dma2 semaphore(%dma_wait3A_311 : memref<!tpu.dma_semaphore, #tpu.memory_space<semaphore_mem>>) src(%arg14 : memref<200x64xf32, #tpu.memory_space<vmem>>) dst(%dma_wait3A_315 : memref<200x64xf32, #tpu.memory_space<hbm>>)
      %lt3A_316 = arith.constant 31 : i32
      %lt3A_317 = arith.cmpi slt, %scan3A_78, %lt3A_316 : i32
      %convert_element_type3A_318 = arith.extui %lt3A_317 : i1 to i32
      %cond3A_319 = arith.constant 0 : i32
      %cond3A_320 = arith.cmpi ne, %convert_element_type3A_318, %cond3A_319 : i32
      scf.if %cond3A_320 {
        %add3A_350 = arith.constant 2 : i32
        %add3A_351 = arith.addi %add3A_303, %add3A_350 : i32
        %add3A_352 = arith.addi %mul3A_2, %add3A_351 : i32
        %mul3A_353 = arith.constant 200 : i32
        %mul3A_354 = arith.muli %add3A_352, %mul3A_353 : i32
        %multiple_of3A_355 = tpu.assume_multiple %mul3A_354, 8 : i32
        %dma_start3A_356 = arith.constant 1 : i32
        %dma_start3A_357 = tpu.memref_slice %arg2[%multiple_of3A_355] : memref<819200xi32, #tpu.memory_space<hbm>> -> memref<200xi32, #tpu.memory_space<hbm>>
        %dma_start3A_358 = tpu.memref_slice %arg15[%dma_start3A_356] : memref<4x!tpu.dma_semaphore, #tpu.memory_space<semaphore_mem>> -> memref<1x!tpu.dma_semaphore, #tpu.memory_space<semaphore_mem>>
        %dma_start3A_359 = tpu.memref_squeeze %dma_start3A_358 : memref<1x!tpu.dma_semaphore, #tpu.memory_space<semaphore_mem>> -> memref<!tpu.dma_semaphore, #tpu.memory_space<semaphore_mem>>
        %dma_start3A_360 = tpu.memref_slice %arg2[%multiple_of3A_355] : memref<819200xi32, #tpu.memory_space<hbm>> -> memref<200xi32, #tpu.memory_space<hbm>>
        tpu.enqueue_dma source(%dma_start3A_360 : memref<200xi32, #tpu.memory_space<hbm>>) target(%arg8 : memref<200xi32, #tpu.memory_space<vmem>>) target_semaphore(%dma_start3A_359 : memref<!tpu.dma_semaphore, #tpu.memory_space<semaphore_mem>>)
      } else {
      }
      %lt3A_321 = arith.constant 31 : i32
      %lt3A_322 = arith.cmpi slt, %scan3A_78, %lt3A_321 : i32
      %convert_element_type3A_323 = arith.extui %lt3A_322 : i1 to i32
      %cond3A_324 = arith.constant 0 : i32
      %cond3A_325 = arith.cmpi ne, %convert_element_type3A_323, %cond3A_324 : i32
      scf.if %cond3A_325 {
        %dma_wait3A_350 = arith.constant 0 : i32
        %dma_wait3A_351 = arith.constant 0 : i32
        %dma_wait3A_352 = tpu.memref_slice %arg2[%dma_wait3A_351] : memref<819200xi32, #tpu.memory_space<hbm>> -> memref<200xi32, #tpu.memory_space<hbm>>
        %dma_wait3A_353 = tpu.memref_slice %arg15[%dma_wait3A_350] : memref<4x!tpu.dma_semaphore, #tpu.memory_space<semaphore_mem>> -> memref<1x!tpu.dma_semaphore, #tpu.memory_space<semaphore_mem>>
        %dma_wait3A_354 = tpu.memref_squeeze %dma_wait3A_353 : memref<1x!tpu.dma_semaphore, #tpu.memory_space<semaphore_mem>> -> memref<!tpu.dma_semaphore, #tpu.memory_space<semaphore_mem>>
        %dma_wait3A_355 = arith.constant 0 : i32
        %dma_wait3A_356 = tpu.memref_slice %arg2[%dma_wait3A_355] : memref<819200xi32, #tpu.memory_space<hbm>> -> memref<200xi32, #tpu.memory_space<hbm>>
        tpu.wait_dma2 semaphore(%dma_wait3A_354 : memref<!tpu.dma_semaphore, #tpu.memory_space<semaphore_mem>>) src(%dma_wait3A_356 : memref<200xi32, #tpu.memory_space<hbm>>) dst(%arg7 : memref<200xi32, #tpu.memory_space<vmem>>)
        %add3A_357 = arith.constant 1 : i32
        %add3A_358 = arith.addi %add3A_303, %add3A_357 : i32
        %dma_start3A_359 = arith.constant 0 : i32
        %dma_start3A_360 = arith.constant 0 : i32
        %dma_start3A_361 = arith.constant 0 : i32
        %dma_start3A_362 = tpu.memref_slice %arg11[%dma_start3A_360, %dma_start3A_361] : memref<200x128xf32, #tpu.memory_space<vmem>> -> memref<104x128xf32, #tpu.memory_space<vmem>>
        %dma_start3A_363 = arith.constant 0 : i32
        %dma_start3A_364 = tpu.memref_slice %arg7[%dma_start3A_363] : memref<200xi32, #tpu.memory_space<vmem>> -> memref<104xi32, #tpu.memory_space<vmem>>
        %dma_start3A_365 = arith.constant 0 : i32
        %dma_start3A_366 = arith.constant 0 : i32
        %dma_start3A_367 = tpu.memref_slice %arg3[%dma_start3A_365, %dma_start3A_366] : memref<1000000x128xf32, #tpu.memory_space<hbm>> -> memref<1000000x128xf32, #tpu.memory_space<hbm>>
        %dma_start3A_368 = tpu.memref_slice %arg16[%dma_start3A_359] : memref<2x!tpu.dma_semaphore, #tpu.memory_space<semaphore_mem>> -> memref<1x!tpu.dma_semaphore, #tpu.memory_space<semaphore_mem>>
        %dma_start3A_369 = tpu.memref_squeeze %dma_start3A_368 : memref<1x!tpu.dma_semaphore, #tpu.memory_space<semaphore_mem>> -> memref<!tpu.dma_semaphore, #tpu.memory_space<semaphore_mem>>
        tpu.enqueue_indirect_dma source(%dma_start3A_367 : memref<1000000x128xf32, #tpu.memory_space<hbm>>) target(%dma_start3A_362 : memref<104x128xf32, #tpu.memory_space<vmem>>) offsets(%dma_start3A_364 : memref<104xi32, #tpu.memory_space<vmem>>) semaphore(%dma_start3A_369 : memref<!tpu.dma_semaphore, #tpu.memory_space<semaphore_mem>>)
        %dma_start3A_370 = arith.constant 0 : i32
        %dma_start3A_371 = arith.constant 104 : i32
        %dma_start3A_372 = arith.constant 0 : i32
        %dma_start3A_373 = tpu.memref_slice %arg11[%dma_start3A_371, %dma_start3A_372] : memref<200x128xf32, #tpu.memory_space<vmem>> -> memref<96x128xf32, #tpu.memory_space<vmem>>
        %dma_start3A_374 = arith.constant 104 : i32
        %dma_start3A_375 = tpu.memref_slice %arg7[%dma_start3A_374] : memref<200xi32, #tpu.memory_space<vmem>> -> memref<96xi32, #tpu.memory_space<vmem>>
        %dma_start3A_376 = arith.constant 0 : i32
        %dma_start3A_377 = arith.constant 0 : i32
        %dma_start3A_378 = tpu.memref_slice %arg3[%dma_start3A_376, %dma_start3A_377] : memref<1000000x128xf32, #tpu.memory_space<hbm>> -> memref<1000000x128xf32, #tpu.memory_space<hbm>>
        %dma_start3A_379 = tpu.memref_slice %arg16[%dma_start3A_370] : memref<2x!tpu.dma_semaphore, #tpu.memory_space<semaphore_mem>> -> memref<1x!tpu.dma_semaphore, #tpu.memory_space<semaphore_mem>>
        %dma_start3A_380 = tpu.memref_squeeze %dma_start3A_379 : memref<1x!tpu.dma_semaphore, #tpu.memory_space<semaphore_mem>> -> memref<!tpu.dma_semaphore, #tpu.memory_space<semaphore_mem>>
        tpu.enqueue_indirect_dma source(%dma_start3A_378 : memref<1000000x128xf32, #tpu.memory_space<hbm>>) target(%dma_start3A_373 : memref<96x128xf32, #tpu.memory_space<vmem>>) offsets(%dma_start3A_375 : memref<96xi32, #tpu.memory_space<vmem>>) semaphore(%dma_start3A_380 : memref<!tpu.dma_semaphore, #tpu.memory_space<semaphore_mem>>)
      } else {
      }
      %dma_wait3A_326 = arith.constant 1 : i32
      %dma_wait3A_327 = arith.constant 0 : i32
      %dma_wait3A_328 = arith.constant 0 : i32
      %dma_wait3A_329 = tpu.memref_slice %arg3[%dma_wait3A_327, %dma_wait3A_328] : memref<1000000x128xf32, #tpu.memory_space<hbm>> -> memref<200x128xf32, #tpu.memory_space<hbm>>
      %dma_wait3A_330 = tpu.memref_slice %arg16[%dma_wait3A_326] : memref<2x!tpu.dma_semaphore, #tpu.memory_space<semaphore_mem>> -> memref<1x!tpu.dma_semaphore, #tpu.memory_space<semaphore_mem>>
      %dma_wait3A_331 = tpu.memref_squeeze %dma_wait3A_330 : memref<1x!tpu.dma_semaphore, #tpu.memory_space<semaphore_mem>> -> memref<!tpu.dma_semaphore, #tpu.memory_space<semaphore_mem>>
      %dma_wait3A_332 = arith.constant 0 : i32
      %dma_wait3A_333 = arith.constant 0 : i32
      %dma_wait3A_334 = tpu.memref_slice %arg3[%dma_wait3A_332, %dma_wait3A_333] : memref<1000000x128xf32, #tpu.memory_space<hbm>> -> memref<200x128xf32, #tpu.memory_space<hbm>>
      tpu.wait_dma2 semaphore(%dma_wait3A_331 : memref<!tpu.dma_semaphore, #tpu.memory_space<semaphore_mem>>) src(%dma_wait3A_334 : memref<200x128xf32, #tpu.memory_space<hbm>>) dst(%arg12 : memref<200x128xf32, #tpu.memory_space<vmem>>)
      %parallel_loop3A_335 = arith.constant 0 : i32
      %parallel_loop3A_336 = arith.constant 200 : i32
      %parallel_loop3A_337 = arith.constant 1 : i32
      scf.for %parallel_loop3A_350 = %parallel_loop3A_335 to %parallel_loop3A_336 step %parallel_loop3A_337  : i32 {
        %parallel_loop3A_351 = arith.index_cast %parallel_loop3A_350 : i32 to index
        %parallel_loop3A_352 = arith.constant 0 : index
        %parallel_loop3A_353 = tpu.vector_load %arg12[%parallel_loop3A_351, %parallel_loop3A_352] {strides = array<i32>} : memref<200x128xf32, #tpu.memory_space<vmem>>, vector<1x16xf32>,
        %parallel_loop3A_354 = vector.shape_cast %parallel_loop3A_353 : vector<1x16xf32> to vector<16xf32>
        %parallel_loop3A_355 = arith.index_cast %parallel_loop3A_350 : i32 to index
        %parallel_loop3A_356 = arith.constant 0 : index
        %parallel_loop3A_357 = tpu.vector_load %arg6[%parallel_loop3A_355, %parallel_loop3A_356] {strides = array<i32>} : memref<200x64xf32, #tpu.memory_space<vmem>>, vector<1x16xf32>,
        %parallel_loop3A_358 = vector.shape_cast %parallel_loop3A_357 : vector<1x16xf32> to vector<16xf32>
        %parallel_loop3A_359 = arith.addf %parallel_loop3A_354, %parallel_loop3A_358 : vector<16xf32>
        %parallel_loop3A_360 = arith.index_cast %parallel_loop3A_350 : i32 to index
        %parallel_loop3A_361 = arith.constant 0 : index
        %parallel_loop3A_362 = tpu.vector_load %arg14[%parallel_loop3A_360, %parallel_loop3A_361] {strides = array<i32>} : memref<200x64xf32, #tpu.memory_space<vmem>>, vector<1x16xf32>,
        %parallel_loop3A_363 = vector.shape_cast %parallel_loop3A_362 : vector<1x16xf32> to vector<16xf32>
        %parallel_loop3A_364 = vector.shape_cast %parallel_loop3A_359 : vector<16xf32> to vector<1x16xf32>
        tpu.vector_store %arg14[%parallel_loop3A_360, %parallel_loop3A_361], %parallel_loop3A_364 {strides = array<i32>} : memref<200x64xf32, #tpu.memory_space<vmem>>, vector<1x16xf32>,
        %parallel_loop3A_365 = arith.index_cast %parallel_loop3A_350 : i32 to index
        %parallel_loop3A_366 = arith.constant 16 : index
        %parallel_loop3A_367 = tpu.vector_load %arg12[%parallel_loop3A_365, %parallel_loop3A_366] {strides = array<i32>} : memref<200x128xf32, #tpu.memory_space<vmem>>, vector<1x16xf32>,
        %parallel_loop3A_368 = vector.shape_cast %parallel_loop3A_367 : vector<1x16xf32> to vector<16xf32>
        %parallel_loop3A_369 = arith.index_cast %parallel_loop3A_350 : i32 to index
        %parallel_loop3A_370 = arith.constant 16 : index
        %parallel_loop3A_371 = tpu.vector_load %arg6[%parallel_loop3A_369, %parallel_loop3A_370] {strides = array<i32>} : memref<200x64xf32, #tpu.memory_space<vmem>>, vector<1x16xf32>,
        %parallel_loop3A_372 = vector.shape_cast %parallel_loop3A_371 : vector<1x16xf32> to vector<16xf32>
        %parallel_loop3A_373 = arith.addf %parallel_loop3A_368, %parallel_loop3A_372 : vector<16xf32>
        %parallel_loop3A_374 = arith.index_cast %parallel_loop3A_350 : i32 to index
        %parallel_loop3A_375 = arith.constant 16 : index
        %parallel_loop3A_376 = tpu.vector_load %arg14[%parallel_loop3A_374, %parallel_loop3A_375] {strides = array<i32>} : memref<200x64xf32, #tpu.memory_space<vmem>>, vector<1x16xf32>,
        %parallel_loop3A_377 = vector.shape_cast %parallel_loop3A_376 : vector<1x16xf32> to vector<16xf32>
        %parallel_loop3A_378 = vector.shape_cast %parallel_loop3A_373 : vector<16xf32> to vector<1x16xf32>
        tpu.vector_store %arg14[%parallel_loop3A_374, %parallel_loop3A_375], %parallel_loop3A_378 {strides = array<i32>} : memref<200x64xf32, #tpu.memory_space<vmem>>, vector<1x16xf32>,
        %parallel_loop3A_379 = arith.index_cast %parallel_loop3A_350 : i32 to index
        %parallel_loop3A_380 = arith.constant 32 : index
        %parallel_loop3A_381 = tpu.vector_load %arg12[%parallel_loop3A_379, %parallel_loop3A_380] {strides = array<i32>} : memref<200x128xf32, #tpu.memory_space<vmem>>, vector<1x16xf32>,
        %parallel_loop3A_382 = vector.shape_cast %parallel_loop3A_381 : vector<1x16xf32> to vector<16xf32>
        %parallel_loop3A_383 = arith.index_cast %parallel_loop3A_350 : i32 to index
        %parallel_loop3A_384 = arith.constant 32 : index
        %parallel_loop3A_385 = tpu.vector_load %arg6[%parallel_loop3A_383, %parallel_loop3A_384] {strides = array<i32>} : memref<200x64xf32, #tpu.memory_space<vmem>>, vector<1x16xf32>,
        %parallel_loop3A_386 = vector.shape_cast %parallel_loop3A_385 : vector<1x16xf32> to vector<16xf32>
        %parallel_loop3A_387 = arith.addf %parallel_loop3A_382, %parallel_loop3A_386 : vector<16xf32>
        %parallel_loop3A_388 = arith.index_cast %parallel_loop3A_350 : i32 to index
        %parallel_loop3A_389 = arith.constant 32 : index
        %parallel_loop3A_390 = tpu.vector_load %arg14[%parallel_loop3A_388, %parallel_loop3A_389] {strides = array<i32>} : memref<200x64xf32, #tpu.memory_space<vmem>>, vector<1x16xf32>,
        %parallel_loop3A_391 = vector.shape_cast %parallel_loop3A_390 : vector<1x16xf32> to vector<16xf32>
        %parallel_loop3A_392 = vector.shape_cast %parallel_loop3A_387 : vector<16xf32> to vector<1x16xf32>
        tpu.vector_store %arg14[%parallel_loop3A_388, %parallel_loop3A_389], %parallel_loop3A_392 {strides = array<i32>} : memref<200x64xf32, #tpu.memory_space<vmem>>, vector<1x16xf32>,
        %parallel_loop3A_393 = arith.index_cast %parallel_loop3A_350 : i32 to index
        %parallel_loop3A_394 = arith.constant 48 : index
        %parallel_loop3A_395 = tpu.vector_load %arg12[%parallel_loop3A_393, %parallel_loop3A_394] {strides = array<i32>} : memref<200x128xf32, #tpu.memory_space<vmem>>, vector<1x16xf32>,
        %parallel_loop3A_396 = vector.shape_cast %parallel_loop3A_395 : vector<1x16xf32> to vector<16xf32>
        %parallel_loop3A_397 = arith.index_cast %parallel_loop3A_350 : i32 to index
        %parallel_loop3A_398 = arith.constant 48 : index
        %parallel_loop3A_399 = tpu.vector_load %arg6[%parallel_loop3A_397, %parallel_loop3A_398] {strides = array<i32>} : memref<200x64xf32, #tpu.memory_space<vmem>>, vector<1x16xf32>,
        %parallel_loop3A_400 = vector.shape_cast %parallel_loop3A_399 : vector<1x16xf32> to vector<16xf32>
        %parallel_loop3A_401 = arith.addf %parallel_loop3A_396, %parallel_loop3A_400 : vector<16xf32>
        %parallel_loop3A_402 = arith.index_cast %parallel_loop3A_350 : i32 to index
        %parallel_loop3A_403 = arith.constant 48 : index
        %parallel_loop3A_404 = tpu.vector_load %arg14[%parallel_loop3A_402, %parallel_loop3A_403] {strides = array<i32>} : memref<200x64xf32, #tpu.memory_space<vmem>>, vector<1x16xf32>,
        %parallel_loop3A_405 = vector.shape_cast %parallel_loop3A_404 : vector<1x16xf32> to vector<16xf32>
        %parallel_loop3A_406 = vector.shape_cast %parallel_loop3A_401 : vector<16xf32> to vector<1x16xf32>
        tpu.vector_store %arg14[%parallel_loop3A_402, %parallel_loop3A_403], %parallel_loop3A_406 {strides = array<i32>} : memref<200x64xf32, #tpu.memory_space<vmem>>, vector<1x16xf32>,
      } {sc.loop_unroll_factor = 4 : i64, sc.parallel_access}
      %add3A_338 = arith.addi %mul3A_2, %add3A_303 : i32
      %dma_start3A_339 = arith.constant 1 : i32
      %dma_start3A_340 = arith.constant 0 : i32
      %dma_start3A_341 = arith.constant 0 : i32
      %dma_start3A_342 = tpu.memref_slice %arg5[%add3A_338, %dma_start3A_340, %dma_start3A_341] : memref<4096x200x64xf32, #tpu.memory_space<hbm>> -> memref<1x200x64xf32, #tpu.memory_space<hbm>>
      %dma_start3A_343 = tpu.memref_squeeze %dma_start3A_342 : memref<1x200x64xf32, #tpu.memory_space<hbm>> -> memref<200x64xf32, #tpu.memory_space<hbm>>
      %dma_start3A_344 = tpu.memref_slice %arg17[%dma_start3A_339] : memref<2x!tpu.dma_semaphore, #tpu.memory_space<semaphore_mem>> -> memref<1x!tpu.dma_semaphore, #tpu.memory_space<semaphore_mem>>
      %dma_start3A_345 = tpu.memref_squeeze %dma_start3A_344 : memref<1x!tpu.dma_semaphore, #tpu.memory_space<semaphore_mem>> -> memref<!tpu.dma_semaphore, #tpu.memory_space<semaphore_mem>>
      %dma_start3A_346 = arith.constant 0 : i32
      %dma_start3A_347 = arith.constant 0 : i32
      %dma_start3A_348 = tpu.memref_slice %arg5[%add3A_338, %dma_start3A_346, %dma_start3A_347] : memref<4096x200x64xf32, #tpu.memory_space<hbm>> -> memref<1x200x64xf32, #tpu.memory_space<hbm>>
      %dma_start3A_349 = tpu.memref_squeeze %dma_start3A_348 : memref<1x200x64xf32, #tpu.memory_space<hbm>> -> memref<200x64xf32, #tpu.memory_space<hbm>>
      tpu.enqueue_dma source(%arg14 : memref<200x64xf32, #tpu.memory_space<vmem>>) target(%dma_start3A_349 : memref<200x64xf32, #tpu.memory_space<hbm>>) target_semaphore(%dma_start3A_345 : memref<!tpu.dma_semaphore, #tpu.memory_space<semaphore_mem>>)
    }
    %scan3A_53 = arith.constant 32 : i32
    %dma_wait3A_54 = arith.constant 0 : i32
    %dma_wait3A_55 = arith.constant 0 : i32
    %dma_wait3A_56 = arith.constant 0 : i32
    %dma_wait3A_57 = arith.constant 0 : i32
    %dma_wait3A_58 = tpu.memref_slice %arg5[%dma_wait3A_54, %dma_wait3A_56, %dma_wait3A_57] : memref<4096x200x64xf32, #tpu.memory_space<hbm>> -> memref<1x200x64xf32, #tpu.memory_space<hbm>>
    %dma_wait3A_59 = tpu.memref_squeeze %dma_wait3A_58 : memref<1x200x64xf32, #tpu.memory_space<hbm>> -> memref<200x64xf32, #tpu.memory_space<hbm>>
    %dma_wait3A_60 = tpu.memref_slice %arg17[%dma_wait3A_55] : memref<2x!tpu.dma_semaphore, #tpu.memory_space<semaphore_mem>> -> memref<1x!tpu.dma_semaphore, #tpu.memory_space<semaphore_mem>>
    %dma_wait3A_61 = tpu.memref_squeeze %dma_wait3A_60 : memref<1x!tpu.dma_semaphore, #tpu.memory_space<semaphore_mem>> -> memref<!tpu.dma_semaphore, #tpu.memory_space<semaphore_mem>>
    %dma_wait3A_62 = arith.constant 0 : i32
    %dma_wait3A_63 = arith.constant 0 : i32
    %dma_wait3A_64 = tpu.memref_slice %arg5[%dma_wait3A_54, %dma_wait3A_62, %dma_wait3A_63] : memref<4096x200x64xf32, #tpu.memory_space<hbm>> -> memref<1x200x64xf32, #tpu.memory_space<hbm>>
    %dma_wait3A_65 = tpu.memref_squeeze %dma_wait3A_64 : memref<1x200x64xf32, #tpu.memory_space<hbm>> -> memref<200x64xf32, #tpu.memory_space<hbm>>
    tpu.wait_dma2 semaphore(%dma_wait3A_61 : memref<!tpu.dma_semaphore, #tpu.memory_space<semaphore_mem>>) src(%arg13 : memref<200x64xf32, #tpu.memory_space<vmem>>) dst(%dma_wait3A_65 : memref<200x64xf32, #tpu.memory_space<hbm>>)
    %dma_wait3A_66 = arith.constant 0 : i32
    %dma_wait3A_67 = arith.constant 1 : i32
    %dma_wait3A_68 = arith.constant 0 : i32
    %dma_wait3A_69 = arith.constant 0 : i32
    %dma_wait3A_70 = tpu.memref_slice %arg5[%dma_wait3A_66, %dma_wait3A_68, %dma_wait3A_69] : memref<4096x200x64xf32, #tpu.memory_space<hbm>> -> memref<1x200x64xf32, #tpu.memory_space<hbm>>
    %dma_wait3A_71 = tpu.memref_squeeze %dma_wait3A_70 : memref<1x200x64xf32, #tpu.memory_space<hbm>> -> memref<200x64xf32, #tpu.memory_space<hbm>>
    %dma_wait3A_72 = tpu.memref_slice %arg17[%dma_wait3A_67] : memref<2x!tpu.dma_semaphore, #tpu.memory_space<semaphore_mem>> -> memref<1x!tpu.dma_semaphore, #tpu.memory_space<semaphore_mem>>
    %dma_wait3A_73 = tpu.memref_squeeze %dma_wait3A_72 : memref<1x!tpu.dma_semaphore, #tpu.memory_space<semaphore_mem>> -> memref<!tpu.dma_semaphore, #tpu.memory_space<semaphore_mem>>
    %dma_wait3A_74 = arith.constant 0 : i32
    %dma_wait3A_75 = arith.constant 0 : i32
    %dma_wait3A_76 = tpu.memref_slice %arg5[%dma_wait3A_66, %dma_wait3A_74, %dma_wait3A_75] : memref<4096x200x64xf32, #tpu.memory_space<hbm>> -> memref<1x200x64xf32, #tpu.memory_space<hbm>>
    %dma_wait3A_77 = tpu.memref_squeeze %dma_wait3A_76 : memref<1x200x64xf32, #tpu.memory_space<hbm>> -> memref<200x64xf32, #tpu.memory_space<hbm>>
    tpu.wait_dma2 semaphore(%dma_wait3A_73 : memref<!tpu.dma_semaphore, #tpu.memory_space<semaphore_mem>>) src(%arg14 : memref<200x64xf32, #tpu.memory_space<vmem>>) dst(%dma_wait3A_77 : memref<200x64xf32, #tpu.memory_space<hbm>>)
    return
  }
}

</mosaic_0001>

<sc_bundles>
// kernel: kernel.3.cloned.1.call-start
scs
__scs_entry_jumppad:
0x0: {  	(pc) =	sbr.rel $0x88, $3  }
0x1: {  	(tag) =	ssettag $0x0;
	lr =	simm.s32 $0x1  }
0x2: {  	[smem:$0x3F9F] =	sst lr;
	_ =	strace $0xD0000000  }
0x3: {  	_ = 	snop  }
0x4: {  	_ = 	snop  }
0x5: {  	_ = 	snop  }
0x6: {  	_ = 	snop  }
0x7: {  	_ = 	snop  }
__scs_overlays_trampoline_lowered:
0x8: {  	[smem:$0x3FAE] =	sst s0  }
0x9: {  	[smem:$0x3FAF] =	sst s1  }
0xa: {  	[smem:$0x3FB0] =	sst s2  }
0xb: {  	[smem:$0x3FB1] =	sst s3  }
0xc: {  	[smem:$0x3FB2] =	sst s4  }
0xd: {  	[smem:$0x3FB3] =	sst s5  }
0xe: {  	[smem:$0x3FB4] =	sst s6  }
0xf: {  	[smem:$0x3FB5] =	sst s7  }
0x10: {  	[smem:$0x3FB6] =	sst s8  }
0x11: {  	[smem:$0x3FB7] =	sst s9;
	s0 =	simm.s32 @!p0 $0x0  }
0x12: {  	s1 =	sld [smem:$0x3F9D];
	s0 =	simm.s32 @p0 $0x1  }
0x13: {  	[smem:$0x3FB8] =	sst s0;
	s0 =	simm.s32 @!p1 $0x0  }
0x14: {  	s2 =	sld [smem:$0x3F9C];
	s0 =	simm.s32 @p1 $0x1  }
0x15: {  	[smem:$0x3FB9] =	sst s0;
	s0 =	simm.s32 @!p2 $0x0  }
0x16: {  	s3 =	sld [smem:$0x3FDB];
	s0 =	simm.s32 @p2 $0x1  }
0x17: {  	s4 =	simm.s32 $0x1BF5;
	[smem:$0x3FBB] =	sst s0  }
0x18: {  	s0 =	sld [smem:$0x3F9E];
	_ =	swait.ge [sflag:s4], $0x0  }
0x19: {  	s7 =	sld [smem:$0x3F9F]  }
0x1a: {  	s8 =	sadd.s32 $0xFFFFE003, lr  }
0x1b: {  	s9 =	sadd.s32 $0xFFFFFEF7, lr;
	s5 =	simm.s32 $0xFFFFFFFF;
	p2 =	slt.u32 s8, $0xFFFFF086  }
0x1c: {  	p1 =	slt.u32 s9, $0xF7A;
	s5 =	simm.s32 @!p2 $0x0  }
0x1d: {  	s5 =	simm.s32 @p1 $0x1;
	p0 =	seq.s32 s7, s2  }
0x1e: {  	s7 =	smul.u32 @!p0 $0xF7A, s2;
	p2 =	seq.s32 @!p0 s5, $0x0  }
0x1f: {  	s9 =	smul.u32 $0xF7A, s1;
	s8 =	simm.s32 @!p0 $0x1BF5;
	p2 =	por !p2, p0  }
0x20: {  	[sflag:s8] =	ssyncset.s32 @!p0 $0xFFFFF086;
	s6 =	sadd.s32 @!p0 s3, s7;
	s7 =	simm.s32 @!p0 $0x108  }
0x21: {  	s3 =	sadd.s32 s3, s9;
	s6 =	sadd.s32 @!p0 $0x88, s6;
	s7 =	simm.s32 @p2 $0x1082  }
0x22: {  	[simem:s7], [sflag:s8] =	dma.local @!p0 [hbm:s6], $0xF7A  }
0x23: {  	s9 =	sor.u32 $0xD0000000, s2;
	s6 =	simm.s32 $0x108;
	_ =	swait.ge @!p0 [sflag:s8], $0x0  }
0x24: {  	s3 =	sadd.s32 $0x88, s3;
	s6 =	simm.s32 @!p1 $0x1082;
	[sflag:s4] =	ssyncset.s32 $0xFFFFF086  }
0x25: {  	[simem:s6], [sflag:s4] =	dma.local [hbm:s3], $0xF7A  }
0x26: {  	[smem:$0x3F9F] =	sst s1;
	(tag) =	ssettag s2;
	_ =	strace s9  }
0x27: {  	s1 =	sld [smem:$0x3FAF]  }
0x28: {  	s2 =	sld [smem:$0x3FB0]  }
0x29: {  	s4 =	sld [smem:$0x3FB2]  }
0x2a: {  	p0 =	seq.s32 s5, $0x0;
	s5 =	sld [smem:$0x3FB3]  }
0x2b: {  	s6 =	sld [smem:$0x3FB4]  }
0x2c: {  	s7 =	sld [smem:$0x3FB5]  }
0x2d: {  	s3 =	simm.s32 $0x108;
	s8 =	sld [smem:$0x3FB6]  }
0x2e: {  	s3 =	simm.s32 @!p0 $0x1082;
	s9 =	sld [smem:$0x3FB7]  }
0x2f: {  	lr =	sadd.s32 s0, s3;
	s0 =	sld [smem:$0x3FAE]  }
0x30: {  	s3 =	sld [smem:$0x3FB1]  }
0x31: {  	[smem:$0x3FBA] =	sst s10  }
0x32: {  	s10 =	sld [smem:$0x3FB8];
	_ =	sdelay $0x3  }
0x33: {  	p0 =	seq.s32 s10, $0x1;
	s10 =	sld [smem:$0x3FBA];
	_ =	sdelay $0x3  }
0x34: {  	[smem:$0x3FBA] =	sst s10  }
0x35: {  	s10 =	sld [smem:$0x3FB9];
	_ =	sdelay $0x3  }
0x36: {  	p1 =	seq.s32 s10, $0x1;
	s10 =	sld [smem:$0x3FBA];
	_ =	sdelay $0x3  }
0x37: {  	[smem:$0x3FBA] =	sst s10  }
0x38: {  	s10 =	sld [smem:$0x3FBB]  }
0x39: {  	_ = 	snop;
	(pc) =	sbr.ind lr, $3  }
0x3a: {  	_ = 	snop  }
0x3b: {  	_ = 	snop  }
0x3c: {  	p2 =	seq.s32 s10, $0x1;
	s10 =	sld [smem:$0x3FBA]  }
0x3d: {  	_ =	shalt  }
0x3e: {  	_ =	shalt  }
0x3f: {  	_ =	shalt  }
0x40: {  	_ =	shalt  }
0x41: {  	_ =	shalt  }
0x42: {  	_ =	shalt  }
0x43: {  	_ =	shalt  }
0x44: {  	_ =	shalt  }
0x45: {  	_ =	shalt  }
0x46: {  	_ =	shalt  }
0x47: {  	_ =	shalt  }
0x48: {  	_ =	shalt  }
0x49: {  	_ =	shalt  }
0x4a: {  	_ =	shalt  }
0x4b: {  	_ =	shalt  }
0x4c: {  	_ =	shalt  }
0x4d: {  	_ =	shalt  }
0x4e: {  	_ =	shalt  }
0x4f: {  	_ =	shalt  }
0x50: {  	_ =	shalt  }
0x51: {  	_ =	shalt  }
0x52: {  	_ =	shalt  }
0x53: {  	_ =	shalt  }
0x54: {  	_ =	shalt  }
0x55: {  	_ =	shalt  }
0x56: {  	_ =	shalt  }
0x57: {  	_ =	shalt  }
0x58: {  	_ =	shalt  }
0x59: {  	_ =	shalt  }
0x5a: {  	_ =	shalt  }
0x5b: {  	_ =	shalt  }
0x5c: {  	_ =	shalt  }
0x5d: {  	_ =	shalt  }
0x5e: {  	_ =	shalt  }
0x5f: {  	_ =	shalt  }
0x60: {  	_ =	shalt  }
0x61: {  	_ =	shalt  }
0x62: {  	_ =	shalt  }
0x63: {  	_ =	shalt  }
0x64: {  	_ =	shalt  }
0x65: {  	_ =	shalt  }
0x66: {  	_ =	shalt  }
0x67: {  	_ =	shalt  }
0x68: {  	_ =	shalt  }
0x69: {  	_ =	shalt  }
0x6a: {  	_ =	shalt  }
0x6b: {  	_ =	shalt  }
0x6c: {  	_ =	shalt  }
0x6d: {  	_ =	shalt  }
0x6e: {  	_ =	shalt  }
0x6f: {  	_ =	shalt  }
0x70: {  	_ =	shalt  }
0x71: {  	_ =	shalt  }
0x72: {  	_ =	shalt  }
0x73: {  	_ =	shalt  }
0x74: {  	_ =	shalt  }
0x75: {  	_ =	shalt  }
0x76: {  	_ =	shalt  }
0x77: {  	_ =	shalt  }
0x78: {  	_ =	shalt  }
0x79: {  	_ =	shalt  }
0x7a: {  	_ =	shalt  }
0x7b: {  	_ =	shalt  }
0x7c: {  	_ =	shalt  }
0x7d: {  	_ =	shalt  }
0x7e: {  	_ =	shalt  }
0x7f: {  	_ =	shalt  }
0x80: {  	_ =	shalt  }
0x81: {  	_ =	shalt  }
0x82: {  	_ =	shalt  }
0x83: {  	_ =	shalt  }
0x84: {  	_ =	shalt  }
0x85: {  	_ =	shalt  }
0x86: {  	_ =	shalt  }
0x87: {  	_ =	shalt  }
.Lfunc_end0:
.L_simem_size_0:
called_computation_lowered:
.L_overlay_start_0:
0x88: {  	s2 =	sld [smem:$0x3FD9]  }
0x89: {  	s3 =	sld [smem:$0x3FFE];
	_ =	sdelay $0x1  }
0x8a: {  	s1 =	srdreg.scid  }
0x8b: {  	s0 =	sand.u32 $0x1, s1  }
0x8c: {  	s17 =	sshll.u32 s0, $0xA;
	s2 =	sadd.s32 s3, s2  }
0x8d: {  	s2 =	sadd.s32 s2, s17  }
0x8e: {  	[smem:$0x3FC6] =	sst s2  }
0x8f: {  	_ = 	snop  }
0x90: {  	s2 =	sld [smem:$0x3FD0];
	(tm) =	ssettm $0x1  }
0x91: {  	s18 =	sld [smem:$0x3FFB];
	_ =	sdelay $0x3  }
0x92: {  	_ =	strace s18  }
0x93: {  	s3 =	sld [smem:$0x3FFC];
	_ =	sdelay $0x3  }
0x94: {  	_ =	strace s3  }
0x95: {  	s3 =	sld [smem:$0x3FFD];
	_ =	sdelay $0x3  }
0x96: {  	_ =	strace s3  }
0x97: {  	_ =	strace $0x8FFFFFFF  }
0x98: {  	s19 =	sld [smem:$0x3FDB];
	_ =	sdelay $0x1  }
0x99: {  	s4 =	simm.s32 $_scs_section_size  }
0x9a: {  	s5 =	simm.s32 $_size__tile_overlayer_lowered;
	s6 =	simm.s32 $_tile_overlayer_lowered  }
0x9b: {  	s22 =	simm.s32 $0x1BFF;
	s21 =	sshll.u32 s6, $0x1;
	s3 =	sadd.s32 s4, s19  }
0x9c: {  	s7 =	simm.s32 $0x0;
	s20 =	sshll.u32 s5, $0x1;
	s5 =	sadd.s32 s21, s3  }
0x9d: {  	[timem:s7], [sflag:s22] =	dma.local [hbm:s5], s20  }
0x9e: {  	_ =	swait.ge [sflag:s22], s20  }
0x9f: {  	s4 =	ssub.s32 $0x0, s20;
	[sflag:s22] =	ssyncset.done $0x0  }
0xa0: {  	[sflag:s22] =	ssyncadd.s32 s4;
	_ =	sdelay $0x1  }
0xa1: {  	s23 =	simm.s32 $0x1B8B  }
0xa2: {  	_ =	swait.ge [sflag:s23], $0x1  }
0xa3: {  	[sflag:s23] =	ssyncset.done $0x0  }
0xa4: {  	s25 =	simm.s32 $0x1B8E;
	s24 =	sld [smem:$0x3FFE];
	[sflag:s23] =	ssyncadd.s32 $0xFFFFFFFF  }
0xa5: {  	s26 =	simm.s32 $execute0_lowered;
	[smem:$0x3FD2] =	sst s25  }
0xa6: {  	s5 =	sshll.u32 s26, $0x1;
	_ =	strace $0x80000046;
	[dreg:$0x1] =	wrdreg $0xFFFFFFFF  }
0xa7: {  	s28 =	simm.s32 $_size_execute0_lowered;
	s3 =	sadd.s32 s3, s5;
	[dreg:$0x0] =	wrdreg $0x0  }
0xa8: {  	s5 =	sshll.u32 s28, $0x1;
	[dreg:$0x2] =	wrdreg s3  }
0xa9: {  	[dreg:$0x3] =	wrdreg s5  }
0xaa: {  	[dreg:$0x4] =	wrdreg $0xC0  }
0xab: {  	_ =	task [dreg:s7], $0x5FFFF  }
0xac: {  	[dreg:$0x1] =	wrdreg $0xFFFFFFFF  }
0xad: {  	[dreg:$0x0] =	wrdreg $0x60  }
0xae: {  	[dreg:$0x2] =	wrdreg s2  }
0xaf: {  	[dreg:$0x3] =	wrdreg s24  }
0xb0: {  	[dreg:$0x4] =	wrdreg $0x9  }
0xb1: {  	_ =	task.clear_ibuf [dreg:s7], $0x5FFFF;
	_ =	strace $0x90000046  }
0xb2: {  	s29 =	simm.s32 $0x9;
	_ =	strace $0x80000048  }
0xb3: {  	_ =	swait.ge [sflag:s29], $0x1  }
0xb4: {  	[sflag:s29] =	ssyncadd.s32 $0xFFFFFFFF  }
0xb5: {  	_ =	strace $0x90000048  }
0xb6: {  	_ =	sfence  }
0xb7: {  	s30 =	sld [smem:$0x0];
	_ =	sdelay $0x2  }
0xb8: {  	s31 =	sshll.u32 s1, $0xD;
	s1 =	sshrl.u32 s1, $0x2  }
0xb9: {  	s3 =	sand.u32 $0x4000, s31;
	s1 =	sadd.s32 s1, s30  }
0xba: {  	s0 =	sor.u32 s3, s0;
	s1 =	sshll.u32 s1, $0x11  }
0xbb: {  	s0 =	sor.u32 s1, s0  }
0xbc: {  	s0 =	sadd.s32 $0x8F2B, s0  }
0xbd: {  	[sflag:s0] =	ssyncadd.remote.s32 $0x1  }
0xbe: {  	_ =	sfence.sel $0xFFFF  }
0xbf: {  	[dreg:$0x0] =	wrdreg $0xFFFFFFFF;
	(pc) =	sbr.abs _section_cstart, $3  }
0xc0: {  	[dreg:$0x1] =	wrdreg $0xFFFFFFFF  }
0xc1: {  	_ =	task.clear_ibuf [dreg:s7], $0x2FFFF;
	_ =	strace $0x9FFFFFFF  }
0xc2: {  	(tm) =	ssettm $0x7FFFFFFF  }
0xc3: {  	_ =	shalt  }
tec
execute0_lowered:
.L_overlay_start_1:
0x0: {  	(tag) =	ssettag $0x1  }
0x1: {  	s1 =	rddreg [dreg:$0x0]  }
0x2: {  	s0 =	rddreg [dreg:$0x1];
	s3 =	simm.s32 $0x0  }
0x3: {  	s2 =	srdreg.scid;
	s4 =	stileid.u32;
	s16 =	simm.s32 $0x68  }
0x4: {  	s18 =	simm.s32 $0x60;
	s22 =	simm.s32 $0x6600;
	s28 =	simm.s32 $0x5  }
0x5: {  	s29 =	simm.s32 $0x13000;
	s30 =	simm.s32 $0x6700;
	s31 =	simm.s32 $0x3  }
0x6: {  	s19 =	simm.s32 $0x19400;
	s14 =	simm.s32 $0x7;
	s12 =	simm.s32 $0x8  }
0x7: {  	[smem:$0x7FF] =	sst s3;
	s2 =	sand.u32 $0x1, s2;
	s4 =	sshll.u32 s4, $0x1  }
0x8: {  	s6 =	sadd.s32 $0x800, s0;
	_ =	strace $0x80000047;
	s5 =	sor.u32 s2, s4  }
0x9: {  	s4 =	sadd.s32 $0xF42C00, s0;
	s2 =	ssub.s32 $0x2, s2;
	[dreg:$0x3] =	wrdreg s6  }
0xa: {  	s6 =	sadd.s32 $0x1600, s0;
	s8 =	smul.u32 $0xC80, s5;
	s7 =	sshll.u32 s5, $0x7  }
0xb: {  	s23 =	sshrl.u32 s2, $0x1;
	s5 =	simm.s32 $0x4;
	s25 =	sor.u32 $0x4, s7  }
0xc: {  	s0 =	ssub.s32 s2, s23;
	s26 =	sor.u32 $0x5, s7;
	[dreg:$0x6] =	wrdreg s25  }
0xd: {  	s23 =	simm.s32 $0x2;
	s24 =	sadd.s32 s1, s8;
	[dreg:$0x7] =	wrdreg s26  }
0xe: {  	s0 =	smax.u32 s0, $0x1;
	s26 =	simm.s32 $0x10000;
	[dreg:$0x4] =	wrdreg s24  }
0xf: {  	s8 =	simm.s32 $0x0;
	s2 =	sadd.s32 $0x19, s24;
	[dreg:$0x8] =	wrdreg s0  }
0x10: {  	s24 =	simm.s32 $0xCC00;
	[dreg:$0x5] =	wrdreg s2;
	s2 =	simm.s32 $0x6  }
.LBB2_1:
0x11: {  	[dreg:$0x9] =	wrdreg s8  }
0x12: {  	s0 =	rddreg [dreg:$0x3];
	s9 =	simm.s32 $0x9  }
0x13: {  	[tilespmem:s3], [sflag:$0x9] =	stream.linear.gather [hbm4b:s0+s3], $0x6400, $0x38;
	[tilespmem:$0x1F800] =	vst v63  }
0x14: {  	_ =	swait.ge [sflag:s9], $0x6400  }
0x15: {  	s11 =	simm.s32 $0x6400;
	[sflag:s9] =	ssyncset.done $0x0  }
0x16: {  	s13 =	simm.s32 $0x1;
	s10 =	rddreg [dreg:$0x4];
	[sflag:s9] =	ssyncadd.s32 $0xFFFF9C00  }
0x17: {  	[tilespmem:s11], [sflag:$0x1] =	stream.linear.gather [hbm4b:s10+s3], $0xC8, $0x38;
	[tilespmem:$0x1F800] =	vst v63  }
0x18: {  	_ =	swait.ge [sflag:s13], $0xC8  }
0x19: {  	[sflag:s13] =	ssyncset.done $0x0  }
0x1a: {  	s15 =	simm.s32 $0x6800;
	[sflag:s13] =	ssyncadd.s32 $0xFFFFFF38  }
0x1b: {  	[tilespmem:s15], [sflag:$0x5] =	stream.indirect.gather [hbm4b:s4+s16], $0x80, s11, s16, $0xb8;
	[tilespmem:$0x1F800] =	vst v63  }
0x1c: {  	s17 =	simm.s32 $0x6468;
	s20 =	simm.s32 $0x9C00  }
0x1d: {  	[tilespmem:s20], [sflag:$0x5] =	stream.indirect.gather [hbm4b:s4+s18], $0x80, s17, s18, $0xb8;
	[tilespmem:$0x1F800] =	vst v63  }
0x1e: {  	s25 =	simm.s32 $0x6500;
	s21 =	rddreg [dreg:$0x5];
	s13 =	simm.s32 $0x0  }
0x1f: {  	[tilespmem:s25], [sflag:$0x2] =	stream.linear.gather [hbm4b:s21+s3], $0xC8, $0x38;
	[tilespmem:$0x1F800] =	vst v63  }
.LBB2_2:
0x20: {  	s15 =	sshll.u32 s13, $0x2  }
0x21: {  	p0 =	seq.s32 s13, $0x0;
	s8 =	sor.u32 s15, s7  }
0x22: {  	s0 =	simm.s32 @!p0 $0x7;
	s25 =	sor.u32 $0x2, s8  }
0x23: {  	_ =	swait.ge @!p0 [sflag:s0], $0x6400;
	s9 =	smul.u32 $0x19, s25  }
0x24: {  	[sflag:s0] =	ssyncset.done @!p0 $0x0  }
0x25: {  	[sflag:s0] =	ssyncadd.s32 @!p0 $0xFFFF9C00;
	s17 =	sadd.s32 s1, s9  }
0x26: {  	[tilespmem:s22], [sflag:$0x3] =	stream.linear.gather [hbm4b:s17+s3], $0xC8, $0x38;
	[tilespmem:$0x1F800] =	vst v63  }
0x27: {  	_ =	swait.ge [sflag:s23], $0xC8  }
0x28: {  	[sflag:s23] =	ssyncset.done $0x0  }
0x29: {  	s20 =	simm.s32 $0x6500;
	[sflag:s23] =	ssyncadd.s32 $0xFFFFFF38  }
0x2a: {  	[tilespmem:s24], [sflag:$0x6] =	stream.indirect.gather [hbm4b:s4+s16], $0x80, s20, s16, $0xb8;
	[tilespmem:$0x1F800] =	vst v63  }
0x2b: {  	s21 =	simm.s32 $0x6568  }
0x2c: {  	[tilespmem:s26], [sflag:$0x6] =	stream.indirect.gather [hbm4b:s4+s18], $0x80, s21, s18, $0xb8;
	[tilespmem:$0x1F800] =	vst v63  }
0x2d: {  	_ =	swait.ge [sflag:s28], $0x6400  }
0x2e: {  	[sflag:s28] =	ssyncset.done $0x0  }
0x2f: {  	s0 =	simm.s32 $0x6900;
	[sflag:s28] =	ssyncadd.s32 $0xFFFF9C00  }
0x30: {  	s17 =	simm.s32 $0x100;
	v0 =	vld [tilespmem:s0+$0x80]  }
0x31: {  	v1 =	vld [tilespmem:s17+$0x80]  }
0x32: {  	v2 =	vld [tilespmem:s17+$0xFFFFFF00]  }
0x33: {  	v3 =	vld [tilespmem:s0+$0xFFFFFF80]  }
0x34: {  	v4 =	vld [tilespmem:s17+$0xFFFFFF80]  }
0x35: {  	v5 =	vld [tilespmem:s0+$0x0]  }
0x36: {  	v6 =	vld [tilespmem:s17+$0x0];
	v0 =	vadd.f32 v1, v0  }
0x37: {  	s9 =	simm.s32 $0x13100;
	v1 =	vld [tilespmem:s0+$0xFFFFFF00]  }
0x38: {  	[tilespmem:s9+$0x80] =	vst v0  }
0x39: {  	v0 =	vadd.f32 v4, v3;
	v3 =	vld [tilespmem:s0+$0x90]  }
0x3a: {  	v4 =	vld [tilespmem:s17+$0x90]  }
0x3b: {  	[tilespmem:s9+$0xFFFFFF80] =	vst v0;
	v0 =	vadd.f32 v6, v5  }
0x3c: {  	v1 =	vadd.f32 v2, v1;
	v2 =	vld [tilespmem:s0+$0xFFFFFF90]  }
0x3d: {  	v5 =	vld [tilespmem:s17+$0xFFFFFF90];
	[tilespmem:s9+$0x0] =	vst v0  }
0x3e: {  	[tilespmem:s9+$0xFFFFFF00] =	vst v1;
	v0 =	vld [tilespmem:s0+$0x10]  }
0x3f: {  	v1 =	vld [tilespmem:s0+$0xFFFFFF10];
	v3 =	vadd.f32 v4, v3  }
0x40: {  	v4 =	vld [tilespmem:s17+$0xFFFFFF10]  }
0x41: {  	v6 =	vld [tilespmem:s17+$0x10];
	[tilespmem:s9+$0x90] =	vst v3  }
0x42: {  	v2 =	vadd.f32 v5, v2;
	v3 =	vld [tilespmem:s0+$0xA0]  }
0x43: {  	v5 =	vld [tilespmem:s17+$0xA0]  }
0x44: {  	[tilespmem:s9+$0xFFFFFF90] =	vst v2  }
0x45: {  	v1 =	vadd.f32 v4, v1;
	v2 =	vld [tilespmem:s0+$0xFFFFFFA0]  }
0x46: {  	v4 =	vld [tilespmem:s17+$0xFFFFFFA0]  }
0x47: {  	v0 =	vadd.f32 v6, v0;
	[tilespmem:s9+$0xFFFFFF10] =	vst v1  }
0x48: {  	v6 =	vld [tilespmem:s0+$0xFFFFFF20];
	v1 =	vadd.f32 v5, v3  }
0x49: {  	[tilespmem:s9+$0x10] =	vst v0;
	v7 =	vld [tilespmem:s17+$0xFFFFFF20]  }
0x4a: {  	v0 =	vld [tilespmem:s0+$0x20];
	[tilespmem:s9+$0xA0] =	vst v1  }
0x4b: {  	v3 =	vadd.f32 v4, v2;
	v1 =	vld [tilespmem:s0+$0xB0]  }
0x4c: {  	v2 =	vld [tilespmem:s17+$0xB0]  }
0x4d: {  	v5 =	vld [tilespmem:s17+$0x20];
	[tilespmem:s9+$0xFFFFFFA0] =	vst v3  }
0x4e: {  	s10 =	simm.s32 $0x0;
	v3 =	vld [tilespmem:s0+$0xFFFFFFB0];
	v6 =	vadd.f32 v7, v6  }
0x4f: {  	s11 =	simm.s32 $0x6B00;
	s20 =	simm.s32 $0x13100;
	s21 =	simm.s32 $0x100;
	v4 =	vld [tilespmem:s17+$0xFFFFFFB0]  }
.LBB2_3:
0x50: {  	v7 =	vld [tilespmem:s11+$0x80];
	[tilespmem:s9+$0xFFFFFF20] =	vst v6;
	s17 =	sadd.s32 $0x200, s17  }
0x51: {  	v6 =	vld [tilespmem:s17+$0x80];
	v1 =	vadd.f32 v2, v1  }
0x52: {  	v2 =	vld [tilespmem:s17+$0xFFFFFF00];
	v0 =	vadd.f32 v5, v0  }
0x53: {  	v5 =	vld [tilespmem:s11+$0xFFFFFF80];
	[tilespmem:s9+$0xB0] =	vst v1  }
0x54: {  	s10 =	sadd.s32 $0x4, s10;
	v1 =	vld [tilespmem:s17+$0xFFFFFF80];
	v3 =	vadd.f32 v4, v3;
	[tilespmem:s9+$0x20] =	vst v0  }
0x55: {  	p1 =	slt.u32 s10, $0xC4;
	v0 =	vld [tilespmem:s11+$0x0]  }
0x56: {  	v4 =	vld [tilespmem:s17+$0x0];
	v6 =	vadd.f32 v6, v7;
	[tilespmem:s9+$0xFFFFFFB0] =	vst v3  }
0x57: {  	s9 =	sadd.s32 $0x200, s9;
	v3 =	vld [tilespmem:s11+$0xFFFFFF00]  }
0x58: {  	[tilespmem:s9+$0x80] =	vst v6;
	v6 =	vld [tilespmem:s0+$0xFFFFFF30]  }
0x59: {  	v1 =	vadd.f32 v1, v5;
	v5 =	vld [tilespmem:s11+$0x90]  }
0x5a: {  	v7 =	vld [tilespmem:s17+$0x90]  }
0x5b: {  	[tilespmem:s9+$0xFFFFFF80] =	vst v1;
	v0 =	vadd.f32 v4, v0;
	v1 =	vld [tilespmem:s21+$0xFFFFFF30]  }
0x5c: {  	v2 =	vadd.f32 v2, v3;
	v3 =	vld [tilespmem:s11+$0xFFFFFF90]  }
0x5d: {  	v4 =	vld [tilespmem:s17+$0xFFFFFF90];
	[tilespmem:s9+$0x0] =	vst v0  }
0x5e: {  	[tilespmem:s9+$0xFFFFFF00] =	vst v2;
	v0 =	vld [tilespmem:s11+$0x10]  }
0x5f: {  	v2 =	vld [tilespmem:s11+$0xFFFFFF10];
	v5 =	vadd.f32 v7, v5  }
0x60: {  	v7 =	vld [tilespmem:s17+$0xFFFFFF10];
	v1 =	vadd.f32 v1, v6  }
0x61: {  	v6 =	vld [tilespmem:s17+$0x10];
	[tilespmem:s9+$0x90] =	vst v5  }
0x62: {  	v3 =	vadd.f32 v4, v3;
	v4 =	vld [tilespmem:s11+$0xA0];
	[tilespmem:s20+$0xFFFFFF30] =	vst v1  }
0x63: {  	v1 =	vld [tilespmem:s17+$0xA0]  }
0x64: {  	[tilespmem:s9+$0xFFFFFF90] =	vst v3;
	v3 =	vld [tilespmem:s0+$0x30];
	s0 =	smov.u32 s11  }
0x65: {  	v2 =	vadd.f32 v7, v2;
	v5 =	vld [tilespmem:s11+$0xFFFFFFA0]  }
0x66: {  	v7 =	vld [tilespmem:s17+$0xFFFFFFA0];
	v0 =	vadd.f32 v6, v0  }
0x67: {  	[tilespmem:s9+$0xFFFFFF10] =	vst v2;
	v6 =	vld [tilespmem:s21+$0x30];
	s21 =	smov.u32 s17  }
0x68: {  	v8 =	vld [tilespmem:s11+$0xFFFFFF20];
	[tilespmem:s9+$0x10] =	vst v0;
	v1 =	vadd.f32 v1, v4  }
0x69: {  	v4 =	vld [tilespmem:s17+$0xFFFFFF20]  }
0x6a: {  	v0 =	vld [tilespmem:s11+$0x20];
	[tilespmem:s9+$0xA0] =	vst v1  }
.Ltmp0:
0x6b: {  	v5 =	vadd.f32 v7, v5;
	v1 =	vld [tilespmem:s11+$0xB0];
	(pc) =	sbr.rel @p1 .LBB2_3-.Ltmp0, $4  }
0x6c: {  	v2 =	vld [tilespmem:s17+$0xB0];
	v7 =	vadd.f32 v6, v3  }
0x6d: {  	[tilespmem:s9+$0xFFFFFFA0] =	vst v5;
	v5 =	vld [tilespmem:s17+$0x20]  }
0x6e: {  	v6 =	vadd.f32 v4, v8;
	v3 =	vld [tilespmem:s11+$0xFFFFFFB0];
	[tilespmem:s20+$0x30] =	vst v7;
	s20 =	smov.u32 s9  }
0x6f: {  	s11 =	sadd.s32 $0x200, s11;
	v4 =	vld [tilespmem:s17+$0xFFFFFFB0]  }
0x70: {  	_ =	sdelay $0x1  }
0x71: {  	[tilespmem:s9+$0xFFFFFF20] =	vst v6;
	v0 =	vadd.f32 v5, v0  }
0x72: {  	v5 =	vld [tilespmem:s0+$0xFFFFFF30]  }
0x73: {  	[tilespmem:s9+$0x20] =	vst v0;
	v0 =	vld [tilespmem:s21+$0xFFFFFF30]  }
0x74: {  	v6 =	vld [tilespmem:s0+$0x30]  }
0x75: {  	v7 =	vld [tilespmem:s21+$0x30];
	_ =	sdelay $0x1  }
0x76: {  	v1 =	vadd.f32 v2, v1  }
0x77: {  	v2 =	vadd.f32 v4, v3  }
0x78: {  	s10 =	sadd.s32 s7, s15;
	[tilespmem:s9+$0xB0] =	vst v1;
	v0 =	vadd.f32 v0, v5  }
0x79: {  	s0 =	smul.u32 $0xC80, s10;
	[tilespmem:s9+$0xFFFFFFB0] =	vst v2;
	v1 =	vadd.f32 v7, v6  }
0x7a: {  	[tilespmem:s20+$0xFFFFFF30] =	vst v0  }
0x7b: {  	s0 =	sadd.s32 s6, s0;
	[tilespmem:s20+$0x30] =	vst v1  }
0x7c: {  	[hbm4b:s0+s3] =	stream.linear.scatter [tilespmem:s29], [sflag:$0x7], $0x6400, $0x38;
	[tilespmem:$0x1F800] =	vst v63  }
0x7d: {  	s8 =	sor.u32 $0x3, s8;
	s0 =	simm.s32 @!p0 $0x8  }
0x7e: {  	s11 =	smul.u32 $0x19, s8;
	_ =	swait.ge @!p0 [sflag:s0], $0x6400  }
0x7f: {  	[sflag:s0] =	ssyncset.done @!p0 $0x0  }
0x80: {  	s17 =	sadd.s32 s1, s11;
	[sflag:s0] =	ssyncadd.s32 @!p0 $0xFFFF9C00  }
0x81: {  	[tilespmem:s30], [sflag:$0x4] =	stream.linear.gather [hbm4b:s17+s3], $0xC8, $0x38;
	[tilespmem:$0x1F800] =	vst v63  }
0x82: {  	_ =	swait.ge [sflag:s31], $0xC8  }
0x83: {  	[sflag:s31] =	ssyncset.done $0x0  }
0x84: {  	s20 =	simm.s32 $0x6800;
	[sflag:s31] =	ssyncadd.s32 $0xFFFFFF38  }
0x85: {  	[tilespmem:s20], [sflag:$0x5] =	stream.indirect.gather [hbm4b:s4+s16], $0x80, s22, s16, $0xb8;
	[tilespmem:$0x1F800] =	vst v63  }
0x86: {  	s21 =	simm.s32 $0x9C00;
	s22 =	simm.s32 $0x6668  }
0x87: {  	[tilespmem:s21], [sflag:$0x5] =	stream.indirect.gather [hbm4b:s4+s18], $0x80, s22, s18, $0xb8;
	[tilespmem:$0x1F800] =	vst v63  }
0x88: {  	_ =	swait.ge [sflag:s2], $0x6400  }
0x89: {  	[sflag:s2] =	ssyncset.done $0x0  }
0x8a: {  	s0 =	simm.s32 $0xCD00;
	[sflag:s2] =	ssyncadd.s32 $0xFFFF9C00  }
0x8b: {  	s17 =	simm.s32 $0x100;
	v0 =	vld [tilespmem:s0+$0x80]  }
0x8c: {  	v1 =	vld [tilespmem:s17+$0x80]  }
0x8d: {  	v2 =	vld [tilespmem:s17+$0xFFFFFF00]  }
0x8e: {  	v3 =	vld [tilespmem:s0+$0xFFFFFF80]  }
0x8f: {  	v4 =	vld [tilespmem:s17+$0xFFFFFF80]  }
0x90: {  	v5 =	vld [tilespmem:s0+$0x0]  }
0x91: {  	v6 =	vld [tilespmem:s17+$0x0];
	v0 =	vadd.f32 v1, v0  }
0x92: {  	s9 =	simm.s32 $0x19500;
	v1 =	vld [tilespmem:s0+$0xFFFFFF00]  }
0x93: {  	[tilespmem:s9+$0x80] =	vst v0  }
0x94: {  	v0 =	vadd.f32 v4, v3;
	v3 =	vld [tilespmem:s0+$0x90]  }
0x95: {  	v4 =	vld [tilespmem:s17+$0x90]  }
0x96: {  	[tilespmem:s9+$0xFFFFFF80] =	vst v0;
	v0 =	vadd.f32 v6, v5  }
0x97: {  	v1 =	vadd.f32 v2, v1;
	v2 =	vld [tilespmem:s0+$0xFFFFFF90]  }
0x98: {  	v5 =	vld [tilespmem:s17+$0xFFFFFF90];
	[tilespmem:s9+$0x0] =	vst v0  }
0x99: {  	[tilespmem:s9+$0xFFFFFF00] =	vst v1;
	v0 =	vld [tilespmem:s0+$0x10]  }
0x9a: {  	v1 =	vld [tilespmem:s0+$0xFFFFFF10];
	v3 =	vadd.f32 v4, v3  }
0x9b: {  	v4 =	vld [tilespmem:s17+$0xFFFFFF10]  }
0x9c: {  	v6 =	vld [tilespmem:s17+$0x10];
	[tilespmem:s9+$0x90] =	vst v3  }
0x9d: {  	v2 =	vadd.f32 v5, v2;
	v3 =	vld [tilespmem:s0+$0xA0]  }
0x9e: {  	v5 =	vld [tilespmem:s17+$0xA0]  }
0x9f: {  	[tilespmem:s9+$0xFFFFFF90] =	vst v2  }
0xa0: {  	v1 =	vadd.f32 v4, v1;
	v2 =	vld [tilespmem:s0+$0xFFFFFFA0]  }
0xa1: {  	v4 =	vld [tilespmem:s17+$0xFFFFFFA0]  }
0xa2: {  	v0 =	vadd.f32 v6, v0;
	[tilespmem:s9+$0xFFFFFF10] =	vst v1  }
0xa3: {  	v6 =	vld [tilespmem:s0+$0xFFFFFF20];
	v1 =	vadd.f32 v5, v3  }
0xa4: {  	[tilespmem:s9+$0x10] =	vst v0;
	v7 =	vld [tilespmem:s17+$0xFFFFFF20]  }
0xa5: {  	v0 =	vld [tilespmem:s0+$0x20];
	[tilespmem:s9+$0xA0] =	vst v1  }
0xa6: {  	v3 =	vadd.f32 v4, v2;
	v1 =	vld [tilespmem:s0+$0xB0]  }
0xa7: {  	v2 =	vld [tilespmem:s17+$0xB0]  }
0xa8: {  	v5 =	vld [tilespmem:s17+$0x20];
	[tilespmem:s9+$0xFFFFFFA0] =	vst v3  }
0xa9: {  	s11 =	simm.s32 $0x0;
	s10 =	simm.s32 $0x100;
	v3 =	vld [tilespmem:s0+$0xFFFFFFB0];
	v6 =	vadd.f32 v7, v6  }
0xaa: {  	s20 =	sor.u32 $0x1, s15;
	s22 =	simm.s32 $0xCF00;
	s21 =	simm.s32 $0x19500;
	v4 =	vld [tilespmem:s17+$0xFFFFFFB0]  }
.LBB2_5:
0xab: {  	v7 =	vld [tilespmem:s22+$0x80];
	[tilespmem:s9+$0xFFFFFF20] =	vst v6;
	s17 =	sadd.s32 $0x200, s17  }
0xac: {  	v6 =	vld [tilespmem:s17+$0x80];
	v1 =	vadd.f32 v2, v1  }
0xad: {  	v2 =	vld [tilespmem:s17+$0xFFFFFF00];
	v0 =	vadd.f32 v5, v0  }
0xae: {  	v5 =	vld [tilespmem:s22+$0xFFFFFF80];
	[tilespmem:s9+$0xB0] =	vst v1  }
0xaf: {  	s11 =	sadd.s32 $0x4, s11;
	v1 =	vld [tilespmem:s17+$0xFFFFFF80];
	v3 =	vadd.f32 v4, v3;
	[tilespmem:s9+$0x20] =	vst v0  }
0xb0: {  	p0 =	slt.u32 s11, $0xC4;
	v0 =	vld [tilespmem:s22+$0x0]  }
0xb1: {  	v4 =	vld [tilespmem:s17+$0x0];
	v6 =	vadd.f32 v6, v7;
	[tilespmem:s9+$0xFFFFFFB0] =	vst v3  }
0xb2: {  	s9 =	sadd.s32 $0x200, s9;
	v3 =	vld [tilespmem:s22+$0xFFFFFF00]  }
0xb3: {  	[tilespmem:s9+$0x80] =	vst v6;
	v6 =	vld [tilespmem:s0+$0xFFFFFF30]  }
0xb4: {  	v1 =	vadd.f32 v1, v5;
	v5 =	vld [tilespmem:s22+$0x90]  }
0xb5: {  	v7 =	vld [tilespmem:s17+$0x90]  }
0xb6: {  	[tilespmem:s9+$0xFFFFFF80] =	vst v1;
	v0 =	vadd.f32 v4, v0;
	v1 =	vld [tilespmem:s10+$0xFFFFFF30]  }
0xb7: {  	v2 =	vadd.f32 v2, v3;
	v3 =	vld [tilespmem:s22+$0xFFFFFF90]  }
0xb8: {  	v4 =	vld [tilespmem:s17+$0xFFFFFF90];
	[tilespmem:s9+$0x0] =	vst v0  }
0xb9: {  	[tilespmem:s9+$0xFFFFFF00] =	vst v2;
	v0 =	vld [tilespmem:s22+$0x10]  }
0xba: {  	v2 =	vld [tilespmem:s22+$0xFFFFFF10];
	v5 =	vadd.f32 v7, v5  }
0xbb: {  	v7 =	vld [tilespmem:s17+$0xFFFFFF10];
	v1 =	vadd.f32 v1, v6  }
0xbc: {  	v6 =	vld [tilespmem:s17+$0x10];
	[tilespmem:s9+$0x90] =	vst v5  }
0xbd: {  	v3 =	vadd.f32 v4, v3;
	v4 =	vld [tilespmem:s22+$0xA0];
	[tilespmem:s21+$0xFFFFFF30] =	vst v1  }
0xbe: {  	v1 =	vld [tilespmem:s17+$0xA0]  }
0xbf: {  	[tilespmem:s9+$0xFFFFFF90] =	vst v3;
	v3 =	vld [tilespmem:s0+$0x30];
	s0 =	smov.u32 s22  }
0xc0: {  	v2 =	vadd.f32 v7, v2;
	v5 =	vld [tilespmem:s22+$0xFFFFFFA0]  }
0xc1: {  	v7 =	vld [tilespmem:s17+$0xFFFFFFA0];
	v0 =	vadd.f32 v6, v0  }
0xc2: {  	[tilespmem:s9+$0xFFFFFF10] =	vst v2;
	v6 =	vld [tilespmem:s10+$0x30];
	s10 =	smov.u32 s17  }
0xc3: {  	v8 =	vld [tilespmem:s22+$0xFFFFFF20];
	[tilespmem:s9+$0x10] =	vst v0;
	v1 =	vadd.f32 v1, v4  }
0xc4: {  	v4 =	vld [tilespmem:s17+$0xFFFFFF20]  }
0xc5: {  	v0 =	vld [tilespmem:s22+$0x20];
	[tilespmem:s9+$0xA0] =	vst v1  }
.Ltmp1:
0xc6: {  	v5 =	vadd.f32 v7, v5;
	v1 =	vld [tilespmem:s22+$0xB0];
	(pc) =	sbr.rel @p0 .LBB2_5-.Ltmp1, $4  }
0xc7: {  	v2 =	vld [tilespmem:s17+$0xB0];
	v7 =	vadd.f32 v6, v3  }
0xc8: {  	[tilespmem:s9+$0xFFFFFFA0] =	vst v5;
	v5 =	vld [tilespmem:s17+$0x20]  }
0xc9: {  	v6 =	vadd.f32 v4, v8;
	v3 =	vld [tilespmem:s22+$0xFFFFFFB0];
	[tilespmem:s21+$0x30] =	vst v7;
	s21 =	smov.u32 s9  }
0xca: {  	s22 =	sadd.s32 $0x200, s22;
	v4 =	vld [tilespmem:s17+$0xFFFFFFB0]  }
0xcb: {  	_ =	sdelay $0x1  }
0xcc: {  	[tilespmem:s9+$0xFFFFFF20] =	vst v6;
	v0 =	vadd.f32 v5, v0  }
0xcd: {  	v5 =	vld [tilespmem:s0+$0xFFFFFF30]  }
0xce: {  	[tilespmem:s9+$0x20] =	vst v0;
	v0 =	vld [tilespmem:s10+$0xFFFFFF30]  }
0xcf: {  	v6 =	vld [tilespmem:s0+$0x30]  }
0xd0: {  	v7 =	vld [tilespmem:s10+$0x30];
	_ =	sdelay $0x1  }
0xd1: {  	v1 =	vadd.f32 v2, v1  }
0xd2: {  	v2 =	vadd.f32 v4, v3  }
0xd3: {  	s20 =	sadd.s32 s7, s20;
	[tilespmem:s9+$0xB0] =	vst v1;
	v0 =	vadd.f32 v0, v5  }
0xd4: {  	s0 =	smul.u32 $0xC80, s20;
	[tilespmem:s9+$0xFFFFFFB0] =	vst v2;
	v1 =	vadd.f32 v7, v6  }
0xd5: {  	[tilespmem:s21+$0xFFFFFF30] =	vst v0  }
0xd6: {  	s0 =	sadd.s32 s6, s0;
	[tilespmem:s21+$0x30] =	vst v1  }
0xd7: {  	[hbm4b:s0+s3] =	stream.linear.scatter [tilespmem:s19], [sflag:$0x8], $0x6400, $0x38;
	[tilespmem:$0x1F800] =	vst v63  }
0xd8: {  	_ =	swait.ge [sflag:s14], $0x6400  }
0xd9: {  	p0 =	seq.s32 s13, $0x1F;
	s0 =	rddreg [dreg:$0x6]  }
0xda: {  	s0 =	sadd.s32 @!p0 s15, s0  }
0xdb: {  	s0 =	smul.u32 @!p0 $0x19, s0  }
0xdc: {  	s10 =	simm.s32 @!p0 $0x6400;
	[sflag:s14] =	ssyncset.done $0x0  }
0xdd: {  	s9 =	simm.s32 @!p0 $0x0;
	[sflag:s14] =	ssyncadd.s32 $0xFFFF9C00;
	s0 =	sadd.s32 @!p0 s1, s0  }
0xde: {  	[tilespmem:s10], [sflag:$0x1] =	stream.linear.gather @!p0 [hbm4b:s0+s9], $0xC8, $0x38;
	[tilespmem:$0x1F800] =	vst v63  }
0xdf: {  	_ =	swait.ge [sflag:s5], $0xC8  }
0xe0: {  	[sflag:s5] =	ssyncset.done $0x0  }
0xe1: {  	[sflag:s5] =	ssyncadd.s32 $0xFFFFFF38  }
0xe2: {  	[tilespmem:s24], [sflag:$0x6] =	stream.indirect.gather [hbm4b:s4+s16], $0x80, s30, s16, $0xb8;
	[tilespmem:$0x1F800] =	vst v63  }
0xe3: {  	s22 =	simm.s32 $0x6768  }
0xe4: {  	[tilespmem:s26], [sflag:$0x6] =	stream.indirect.gather [hbm4b:s4+s18], $0x80, s22, s18, $0xb8;
	[tilespmem:$0x1F800] =	vst v63  }
0xe5: {  	_ =	swait.ge [sflag:s28], $0x6400  }
0xe6: {  	[sflag:s28] =	ssyncset.done $0x0  }
0xe7: {  	s0 =	simm.s32 $0x6900;
	[sflag:s28] =	ssyncadd.s32 $0xFFFF9C00  }
0xe8: {  	s17 =	simm.s32 $0x100;
	v0 =	vld [tilespmem:s0+$0x80]  }
0xe9: {  	v1 =	vld [tilespmem:s17+$0x80]  }
0xea: {  	v2 =	vld [tilespmem:s17+$0xFFFFFF00]  }
0xeb: {  	v3 =	vld [tilespmem:s0+$0xFFFFFF80]  }
0xec: {  	v4 =	vld [tilespmem:s17+$0xFFFFFF80]  }
0xed: {  	v5 =	vld [tilespmem:s0+$0x0]  }
0xee: {  	v6 =	vld [tilespmem:s17+$0x0];
	v0 =	vadd.f32 v1, v0  }
0xef: {  	s9 =	simm.s32 $0x13100;
	v1 =	vld [tilespmem:s0+$0xFFFFFF00]  }
0xf0: {  	[tilespmem:s9+$0x80] =	vst v0  }
0xf1: {  	v0 =	vadd.f32 v4, v3;
	v3 =	vld [tilespmem:s0+$0x90]  }
0xf2: {  	v4 =	vld [tilespmem:s17+$0x90]  }
0xf3: {  	[tilespmem:s9+$0xFFFFFF80] =	vst v0;
	v0 =	vadd.f32 v6, v5  }
0xf4: {  	v1 =	vadd.f32 v2, v1;
	v2 =	vld [tilespmem:s0+$0xFFFFFF90]  }
0xf5: {  	v5 =	vld [tilespmem:s17+$0xFFFFFF90];
	[tilespmem:s9+$0x0] =	vst v0  }
0xf6: {  	[tilespmem:s9+$0xFFFFFF00] =	vst v1;
	v0 =	vld [tilespmem:s0+$0x10]  }
0xf7: {  	v1 =	vld [tilespmem:s0+$0xFFFFFF10];
	v3 =	vadd.f32 v4, v3  }
0xf8: {  	v4 =	vld [tilespmem:s17+$0xFFFFFF10]  }
0xf9: {  	v6 =	vld [tilespmem:s17+$0x10];
	[tilespmem:s9+$0x90] =	vst v3  }
0xfa: {  	v2 =	vadd.f32 v5, v2;
	v3 =	vld [tilespmem:s0+$0xA0]  }
0xfb: {  	v5 =	vld [tilespmem:s17+$0xA0]  }
0xfc: {  	[tilespmem:s9+$0xFFFFFF90] =	vst v2  }
0xfd: {  	v1 =	vadd.f32 v4, v1;
	v2 =	vld [tilespmem:s0+$0xFFFFFFA0]  }
0xfe: {  	v4 =	vld [tilespmem:s17+$0xFFFFFFA0]  }
0xff: {  	v0 =	vadd.f32 v6, v0;
	[tilespmem:s9+$0xFFFFFF10] =	vst v1  }
0x100: {  	v6 =	vld [tilespmem:s0+$0xFFFFFF20];
	v1 =	vadd.f32 v5, v3  }
0x101: {  	[tilespmem:s9+$0x10] =	vst v0;
	v7 =	vld [tilespmem:s17+$0xFFFFFF20]  }
0x102: {  	v0 =	vld [tilespmem:s0+$0x20];
	[tilespmem:s9+$0xA0] =	vst v1  }
0x103: {  	v3 =	vadd.f32 v4, v2;
	v1 =	vld [tilespmem:s0+$0xB0]  }
0x104: {  	v2 =	vld [tilespmem:s17+$0xB0]  }
0x105: {  	v5 =	vld [tilespmem:s17+$0x20];
	[tilespmem:s9+$0xFFFFFFA0] =	vst v3  }
0x106: {  	s11 =	simm.s32 $0x0;
	v3 =	vld [tilespmem:s0+$0xFFFFFFB0];
	v6 =	vadd.f32 v7, v6  }
0x107: {  	s20 =	simm.s32 $0x13100;
	s21 =	simm.s32 $0x6B00;
	s10 =	simm.s32 $0x100;
	v4 =	vld [tilespmem:s17+$0xFFFFFFB0]  }
.LBB2_7:
0x108: {  	v7 =	vld [tilespmem:s21+$0x80];
	[tilespmem:s9+$0xFFFFFF20] =	vst v6;
	s17 =	sadd.s32 $0x200, s17  }
0x109: {  	v6 =	vld [tilespmem:s17+$0x80];
	v1 =	vadd.f32 v2, v1  }
0x10a: {  	v2 =	vld [tilespmem:s17+$0xFFFFFF00];
	v0 =	vadd.f32 v5, v0  }
0x10b: {  	v5 =	vld [tilespmem:s21+$0xFFFFFF80];
	[tilespmem:s9+$0xB0] =	vst v1  }
0x10c: {  	s11 =	sadd.s32 $0x4, s11;
	v1 =	vld [tilespmem:s17+$0xFFFFFF80];
	v3 =	vadd.f32 v4, v3;
	[tilespmem:s9+$0x20] =	vst v0  }
0x10d: {  	p1 =	slt.u32 s11, $0xC4;
	v0 =	vld [tilespmem:s21+$0x0]  }
0x10e: {  	v4 =	vld [tilespmem:s17+$0x0];
	v6 =	vadd.f32 v6, v7;
	[tilespmem:s9+$0xFFFFFFB0] =	vst v3  }
0x10f: {  	s9 =	sadd.s32 $0x200, s9;
	v3 =	vld [tilespmem:s21+$0xFFFFFF00]  }
0x110: {  	[tilespmem:s9+$0x80] =	vst v6;
	v6 =	vld [tilespmem:s0+$0xFFFFFF30]  }
0x111: {  	v1 =	vadd.f32 v1, v5;
	v5 =	vld [tilespmem:s21+$0x90]  }
0x112: {  	v7 =	vld [tilespmem:s17+$0x90]  }
0x113: {  	[tilespmem:s9+$0xFFFFFF80] =	vst v1;
	v0 =	vadd.f32 v4, v0;
	v1 =	vld [tilespmem:s10+$0xFFFFFF30]  }
0x114: {  	v2 =	vadd.f32 v2, v3;
	v3 =	vld [tilespmem:s21+$0xFFFFFF90]  }
0x115: {  	v4 =	vld [tilespmem:s17+$0xFFFFFF90];
	[tilespmem:s9+$0x0] =	vst v0  }
0x116: {  	[tilespmem:s9+$0xFFFFFF00] =	vst v2;
	v0 =	vld [tilespmem:s21+$0x10]  }
0x117: {  	v2 =	vld [tilespmem:s21+$0xFFFFFF10];
	v5 =	vadd.f32 v7, v5  }
0x118: {  	v7 =	vld [tilespmem:s17+$0xFFFFFF10];
	v1 =	vadd.f32 v1, v6  }
0x119: {  	v6 =	vld [tilespmem:s17+$0x10];
	[tilespmem:s9+$0x90] =	vst v5  }
0x11a: {  	v3 =	vadd.f32 v4, v3;
	v4 =	vld [tilespmem:s21+$0xA0];
	[tilespmem:s20+$0xFFFFFF30] =	vst v1  }
0x11b: {  	v1 =	vld [tilespmem:s17+$0xA0]  }
0x11c: {  	[tilespmem:s9+$0xFFFFFF90] =	vst v3;
	v3 =	vld [tilespmem:s0+$0x30];
	s0 =	smov.u32 s21  }
0x11d: {  	v2 =	vadd.f32 v7, v2;
	v5 =	vld [tilespmem:s21+$0xFFFFFFA0]  }
0x11e: {  	v7 =	vld [tilespmem:s17+$0xFFFFFFA0];
	v0 =	vadd.f32 v6, v0  }
0x11f: {  	[tilespmem:s9+$0xFFFFFF10] =	vst v2;
	v6 =	vld [tilespmem:s10+$0x30];
	s10 =	smov.u32 s17  }
0x120: {  	v8 =	vld [tilespmem:s21+$0xFFFFFF20];
	[tilespmem:s9+$0x10] =	vst v0;
	v1 =	vadd.f32 v1, v4  }
0x121: {  	v4 =	vld [tilespmem:s17+$0xFFFFFF20]  }
0x122: {  	v0 =	vld [tilespmem:s21+$0x20];
	[tilespmem:s9+$0xA0] =	vst v1  }
.Ltmp2:
0x123: {  	v5 =	vadd.f32 v7, v5;
	v1 =	vld [tilespmem:s21+$0xB0];
	(pc) =	sbr.rel @p1 .LBB2_7-.Ltmp2, $4  }
0x124: {  	v2 =	vld [tilespmem:s17+$0xB0];
	v7 =	vadd.f32 v6, v3  }
0x125: {  	[tilespmem:s9+$0xFFFFFFA0] =	vst v5;
	v5 =	vld [tilespmem:s17+$0x20]  }
0x126: {  	v6 =	vadd.f32 v4, v8;
	v3 =	vld [tilespmem:s21+$0xFFFFFFB0];
	[tilespmem:s20+$0x30] =	vst v7;
	s20 =	smov.u32 s9  }
0x127: {  	s21 =	sadd.s32 $0x200, s21;
	v4 =	vld [tilespmem:s17+$0xFFFFFFB0]  }
0x128: {  	_ =	sdelay $0x1  }
0x129: {  	[tilespmem:s9+$0xFFFFFF20] =	vst v6;
	v0 =	vadd.f32 v5, v0  }
0x12a: {  	v5 =	vld [tilespmem:s0+$0xFFFFFF30]  }
0x12b: {  	[tilespmem:s9+$0x20] =	vst v0;
	v0 =	vld [tilespmem:s10+$0xFFFFFF30]  }
0x12c: {  	v6 =	vld [tilespmem:s0+$0x30]  }
0x12d: {  	v7 =	vld [tilespmem:s10+$0x30];
	_ =	sdelay $0x1  }
0x12e: {  	v1 =	vadd.f32 v2, v1  }
0x12f: {  	v2 =	vadd.f32 v4, v3  }
0x130: {  	[tilespmem:s9+$0xB0] =	vst v1;
	v0 =	vadd.f32 v0, v5  }
0x131: {  	s25 =	smul.u32 $0xC80, s25;
	[tilespmem:s9+$0xFFFFFFB0] =	vst v2;
	v1 =	vadd.f32 v7, v6  }
0x132: {  	[tilespmem:s20+$0xFFFFFF30] =	vst v0  }
0x133: {  	s0 =	sadd.s32 s6, s25;
	[tilespmem:s20+$0x30] =	vst v1  }
0x134: {  	[hbm4b:s0+s3] =	stream.linear.scatter [tilespmem:s29], [sflag:$0x7], $0x6400, $0x38;
	[tilespmem:$0x1F800] =	vst v63  }
0x135: {  	_ =	swait.ge [sflag:s12], $0x6400  }
0x136: {  	s0 =	rddreg [dreg:$0x7]  }
0x137: {  	s0 =	sadd.s32 @!p0 s15, s0  }
0x138: {  	s0 =	smul.u32 @!p0 $0x19, s0  }
0x139: {  	s10 =	simm.s32 @!p0 $0x6500;
	[sflag:s12] =	ssyncset.done $0x0  }
0x13a: {  	s9 =	simm.s32 @!p0 $0x0;
	[sflag:s12] =	ssyncadd.s32 $0xFFFF9C00;
	s0 =	sadd.s32 @!p0 s1, s0  }
0x13b: {  	[tilespmem:s10], [sflag:$0x2] =	stream.linear.gather @!p0 [hbm4b:s0+s9], $0xC8, $0x38;
	[tilespmem:$0x1F800] =	vst v63  }
0x13c: {  	s0 =	simm.s32 @!p0 $0x1  }
0x13d: {  	_ =	swait.ge @!p0 [sflag:s0], $0xC8  }
0x13e: {  	s9 =	simm.s32 @!p0 $0x6400;
	[sflag:s0] =	ssyncset.done @!p0 $0x0  }
0x13f: {  	s10 =	simm.s32 @!p0 $0x6800;
	[sflag:s0] =	ssyncadd.s32 @!p0 $0xFFFFFF38;
	s0 =	simm.s32 @!p0 $0x68  }
0x140: {  	[tilespmem:s10], [sflag:$0x5] =	stream.indirect.gather @!p0 [hbm4b:s4+s0], $0x80, s9, s0, $0xb8;
	[tilespmem:$0x1F800] =	vst v63  }
0x141: {  	s0 =	simm.s32 @!p0 $0x60;
	s9 =	simm.s32 @!p0 $0x6468;
	s10 =	simm.s32 @!p0 $0x9C00  }
0x142: {  	[tilespmem:s10], [sflag:$0x5] =	stream.indirect.gather @!p0 [hbm4b:s4+s0], $0x80, s9, s0, $0xb8;
	[tilespmem:$0x1F800] =	vst v63  }
0x143: {  	_ =	swait.ge [sflag:s2], $0x6400  }
0x144: {  	[sflag:s2] =	ssyncset.done $0x0  }
0x145: {  	s0 =	simm.s32 $0xCD00;
	[sflag:s2] =	ssyncadd.s32 $0xFFFF9C00  }
0x146: {  	s15 =	simm.s32 $0x100;
	v0 =	vld [tilespmem:s0+$0x80]  }
0x147: {  	v1 =	vld [tilespmem:s15+$0x80]  }
0x148: {  	v2 =	vld [tilespmem:s15+$0xFFFFFF00]  }
0x149: {  	v3 =	vld [tilespmem:s0+$0xFFFFFF80]  }
0x14a: {  	v4 =	vld [tilespmem:s15+$0xFFFFFF80]  }
0x14b: {  	v5 =	vld [tilespmem:s0+$0x0]  }
0x14c: {  	v6 =	vld [tilespmem:s15+$0x0];
	v0 =	vadd.f32 v1, v0  }
0x14d: {  	s9 =	simm.s32 $0x19500;
	v1 =	vld [tilespmem:s0+$0xFFFFFF00]  }
0x14e: {  	[tilespmem:s9+$0x80] =	vst v0  }
0x14f: {  	v0 =	vadd.f32 v4, v3;
	v3 =	vld [tilespmem:s0+$0x90]  }
0x150: {  	v4 =	vld [tilespmem:s15+$0x90]  }
0x151: {  	[tilespmem:s9+$0xFFFFFF80] =	vst v0;
	v0 =	vadd.f32 v6, v5  }
0x152: {  	v1 =	vadd.f32 v2, v1;
	v2 =	vld [tilespmem:s0+$0xFFFFFF90]  }
0x153: {  	v5 =	vld [tilespmem:s15+$0xFFFFFF90];
	[tilespmem:s9+$0x0] =	vst v0  }
0x154: {  	[tilespmem:s9+$0xFFFFFF00] =	vst v1;
	v0 =	vld [tilespmem:s0+$0x10]  }
0x155: {  	v1 =	vld [tilespmem:s0+$0xFFFFFF10];
	v3 =	vadd.f32 v4, v3  }
0x156: {  	v4 =	vld [tilespmem:s15+$0xFFFFFF10]  }
0x157: {  	v6 =	vld [tilespmem:s15+$0x10];
	[tilespmem:s9+$0x90] =	vst v3  }
0x158: {  	v2 =	vadd.f32 v5, v2;
	v3 =	vld [tilespmem:s0+$0xA0]  }
0x159: {  	v5 =	vld [tilespmem:s15+$0xA0]  }
0x15a: {  	[tilespmem:s9+$0xFFFFFF90] =	vst v2  }
0x15b: {  	v1 =	vadd.f32 v4, v1;
	v2 =	vld [tilespmem:s0+$0xFFFFFFA0]  }
0x15c: {  	v4 =	vld [tilespmem:s15+$0xFFFFFFA0]  }
0x15d: {  	v0 =	vadd.f32 v6, v0;
	[tilespmem:s9+$0xFFFFFF10] =	vst v1  }
0x15e: {  	v6 =	vld [tilespmem:s0+$0xFFFFFF20];
	v1 =	vadd.f32 v5, v3  }
0x15f: {  	[tilespmem:s9+$0x10] =	vst v0;
	v7 =	vld [tilespmem:s15+$0xFFFFFF20]  }
0x160: {  	v0 =	vld [tilespmem:s0+$0x20];
	[tilespmem:s9+$0xA0] =	vst v1  }
0x161: {  	v3 =	vadd.f32 v4, v2;
	v1 =	vld [tilespmem:s0+$0xB0]  }
0x162: {  	v2 =	vld [tilespmem:s15+$0xB0]  }
0x163: {  	v5 =	vld [tilespmem:s15+$0x20];
	[tilespmem:s9+$0xFFFFFFA0] =	vst v3  }
0x164: {  	s11 =	simm.s32 $0x0;
	s17 =	simm.s32 $0x19500;
	v3 =	vld [tilespmem:s0+$0xFFFFFFB0];
	v6 =	vadd.f32 v7, v6  }
0x165: {  	s22 =	simm.s32 $0x6600;
	s20 =	simm.s32 $0xCF00;
	s10 =	simm.s32 $0x100;
	v4 =	vld [tilespmem:s15+$0xFFFFFFB0]  }
.LBB2_9:
0x166: {  	v7 =	vld [tilespmem:s20+$0x80];
	[tilespmem:s9+$0xFFFFFF20] =	vst v6;
	s15 =	sadd.s32 $0x200, s15  }
0x167: {  	v6 =	vld [tilespmem:s15+$0x80];
	v1 =	vadd.f32 v2, v1  }
0x168: {  	v2 =	vld [tilespmem:s15+$0xFFFFFF00];
	v0 =	vadd.f32 v5, v0  }
0x169: {  	v5 =	vld [tilespmem:s20+$0xFFFFFF80];
	[tilespmem:s9+$0xB0] =	vst v1  }
0x16a: {  	s11 =	sadd.s32 $0x4, s11;
	v1 =	vld [tilespmem:s15+$0xFFFFFF80];
	v3 =	vadd.f32 v4, v3;
	[tilespmem:s9+$0x20] =	vst v0  }
0x16b: {  	p0 =	slt.u32 s11, $0xC4;
	v0 =	vld [tilespmem:s20+$0x0]  }
0x16c: {  	v4 =	vld [tilespmem:s15+$0x0];
	v6 =	vadd.f32 v6, v7;
	[tilespmem:s9+$0xFFFFFFB0] =	vst v3  }
0x16d: {  	s9 =	sadd.s32 $0x200, s9;
	v3 =	vld [tilespmem:s20+$0xFFFFFF00]  }
0x16e: {  	[tilespmem:s9+$0x80] =	vst v6;
	v6 =	vld [tilespmem:s0+$0xFFFFFF30]  }
0x16f: {  	v1 =	vadd.f32 v1, v5;
	v5 =	vld [tilespmem:s20+$0x90]  }
0x170: {  	v7 =	vld [tilespmem:s15+$0x90]  }
0x171: {  	[tilespmem:s9+$0xFFFFFF80] =	vst v1;
	v0 =	vadd.f32 v4, v0;
	v1 =	vld [tilespmem:s10+$0xFFFFFF30]  }
0x172: {  	v2 =	vadd.f32 v2, v3;
	v3 =	vld [tilespmem:s20+$0xFFFFFF90]  }
0x173: {  	v4 =	vld [tilespmem:s15+$0xFFFFFF90];
	[tilespmem:s9+$0x0] =	vst v0  }
0x174: {  	[tilespmem:s9+$0xFFFFFF00] =	vst v2;
	v0 =	vld [tilespmem:s20+$0x10]  }
0x175: {  	v2 =	vld [tilespmem:s20+$0xFFFFFF10];
	v5 =	vadd.f32 v7, v5  }
0x176: {  	v7 =	vld [tilespmem:s15+$0xFFFFFF10];
	v1 =	vadd.f32 v1, v6  }
0x177: {  	v6 =	vld [tilespmem:s15+$0x10];
	[tilespmem:s9+$0x90] =	vst v5  }
0x178: {  	v3 =	vadd.f32 v4, v3;
	v4 =	vld [tilespmem:s20+$0xA0];
	[tilespmem:s17+$0xFFFFFF30] =	vst v1  }
0x179: {  	v1 =	vld [tilespmem:s15+$0xA0]  }
0x17a: {  	[tilespmem:s9+$0xFFFFFF90] =	vst v3;
	v3 =	vld [tilespmem:s0+$0x30];
	s0 =	smov.u32 s20  }
0x17b: {  	v2 =	vadd.f32 v7, v2;
	v5 =	vld [tilespmem:s20+$0xFFFFFFA0]  }
0x17c: {  	v7 =	vld [tilespmem:s15+$0xFFFFFFA0];
	v0 =	vadd.f32 v6, v0  }
0x17d: {  	[tilespmem:s9+$0xFFFFFF10] =	vst v2;
	v6 =	vld [tilespmem:s10+$0x30];
	s10 =	smov.u32 s15  }
0x17e: {  	v8 =	vld [tilespmem:s20+$0xFFFFFF20];
	[tilespmem:s9+$0x10] =	vst v0;
	v1 =	vadd.f32 v1, v4  }
0x17f: {  	v4 =	vld [tilespmem:s15+$0xFFFFFF20]  }
0x180: {  	v0 =	vld [tilespmem:s20+$0x20];
	[tilespmem:s9+$0xA0] =	vst v1  }
.Ltmp3:
0x181: {  	v5 =	vadd.f32 v7, v5;
	v1 =	vld [tilespmem:s20+$0xB0];
	(pc) =	sbr.rel @p0 .LBB2_9-.Ltmp3, $4  }
0x182: {  	v2 =	vld [tilespmem:s15+$0xB0];
	v7 =	vadd.f32 v6, v3  }
0x183: {  	[tilespmem:s9+$0xFFFFFFA0] =	vst v5;
	v5 =	vld [tilespmem:s15+$0x20]  }
0x184: {  	v6 =	vadd.f32 v4, v8;
	v3 =	vld [tilespmem:s20+$0xFFFFFFB0];
	[tilespmem:s17+$0x30] =	vst v7;
	s17 =	smov.u32 s9  }
0x185: {  	s20 =	sadd.s32 $0x200, s20;
	v4 =	vld [tilespmem:s15+$0xFFFFFFB0]  }
0x186: {  	_ =	sdelay $0x1  }
0x187: {  	[tilespmem:s9+$0xFFFFFF20] =	vst v6;
	v0 =	vadd.f32 v5, v0  }
0x188: {  	v59 =	vld [tilespmem:s0+$0xFFFFFF30]  }
0x189: {  	v60 =	vld [tilespmem:s10+$0xFFFFFF30];
	[tilespmem:s9+$0x20] =	vst v0  }
0x18a: {  	v61 =	vld [tilespmem:s0+$0x30]  }
0x18b: {  	v7 =	vld [tilespmem:s10+$0x30];
	_ =	sdelay $0x1  }
0x18c: {  	s13 =	sadd.s32 $0x1, s13;
	v1 =	vadd.f32 v2, v1  }
0x18d: {  	p0 =	sne.s32 s13, $0x20;
	v62 =	vadd.f32 v4, v3  }
.Ltmp4:
0x18e: {  	[tilespmem:s9+$0xB0] =	vst v1;
	v0 =	vadd.f32 v60, v59;
	(pc) =	sbr.rel @p0 .LBB2_2-.Ltmp4, $4  }
0x18f: {  	s25 =	smul.u32 $0xC80, s8;
	[tilespmem:s9+$0xFFFFFFB0] =	vst v62;
	v63 =	vadd.f32 v7, v61  }
0x190: {  	[tilespmem:s17+$0xFFFFFF30] =	vst v0  }
0x191: {  	s0 =	sadd.s32 s6, s25;
	[tilespmem:s17+$0x30] =	vst v63  }
0x192: {  	[hbm4b:s0+s3] =	stream.linear.scatter [tilespmem:s19], [sflag:$0x8], $0x6400, $0x38;
	[tilespmem:$0x1F800] =	vst v63  }
0x193: {  	_ =	swait.ge [sflag:s14], $0x6400  }
0x194: {  	[sflag:s14] =	ssyncset.done $0x0  }
0x195: {  	[sflag:s14] =	ssyncadd.s32 $0xFFFF9C00  }
0x196: {  	_ =	swait.ge [sflag:s12], $0x6400  }
0x197: {  	s8 =	rddreg [dreg:$0x9]  }
0x198: {  	s0 =	rddreg [dreg:$0x8];
	s8 =	sadd.s32 $0x1, s8  }
0x199: {  	p0 =	sne.s32 s8, s0  }
.Ltmp5:
0x19a: {  	_ = 	snop;
	(pc) =	sbr.rel @p0 .LBB2_1-.Ltmp5, $3  }
0x19b: {  	_ =	sdelay $0x1  }
0x19c: {  	[sflag:s12] =	ssyncset.done $0x0  }
0x19d: {  	[sflag:s12] =	ssyncadd.s32 $0xFFFF9C00  }
0x19e: {  	_ =	sfence.sel $0x180000  }
0x19f: {  	[bflag:$0x0] =	sbarrier.arrive $0xFFFF  }
0x1a0: {  	_ =	strace $0x90000047  }
0x1a1: {  	s0 =	stileid.u32;
	[bflag:$0x2] =	sbarrier.arrive $0xFFFF  }
0x1a2: {  	p0 =	sne.s32 s0, $0x0;
	s0 =	rddreg [dreg:$0x2]  }
0x1a3: {  	s0 =	sadd.s32 @!p0 $0x100000, s0  }
0x1a4: {  	[sflag:s0] =	ssyncadd.tile.s32 @!p0 $0x1;
	_ =	shalt  }
.Lfunc_end2:
_tile_overlayer_lowered:
.L_overlay_start_2:
0x1a5: {  	(tag) =	ssettag $0x2  }
0x1a6: {  	s0 =	rddreg [dreg:$0x0];
	s2 =	stileid.u32  }
0x1a7: {  	s1 =	rddreg [dreg:$0x1];
	p0 =	sne.s32 s2, $0x0  }
0x1a8: {  	s3 =	rddreg [dreg:$0x2];
	[bflag:$0x3] =	sbarrier.arrive $0xFFFF;
	s2 =	simm.s32 @!p0 $0x1C09  }
0x1a9: {  	[timem:s3], [sflag:s2] =	dma.local @!p0 [hbm:s0], s1  }
0x1aa: {  	s0 =	simm.s32 @!p0 $0x9  }
0x1ab: {  	_ =	swait.ge @!p0 [sflag:s0], s1  }
0x1ac: {  	s1 =	ssub.s32 @!p0 $0x0, s1;
	[sflag:s0] =	ssyncset.done @!p0 $0x0  }
0x1ad: {  	[sflag:s0] =	ssyncadd.s32 @!p0 s1  }
0x1ae: {  	[bflag:$0x3] =	sbarrier.arrive $0xFFFF  }
0x1af: {  	_ =	shalt  }

</sc_bundles>
